<compile_context>
chip_gen: v7x
topology: tpu7x:2x2x1
jax: 0.10.2.dev20260603
libtpu: 0.0.44.dev20260713+nightly
codegen_flags: <defaults>
</compile_context>

<pallas_src>
import functools

import jax
import jax.numpy as jnp
from jax import lax
from jax.experimental import pallas as pl
from jax.experimental.pallas import tpu as pltpu
from jax.experimental.pallas import tpu_sc as plsc

D_MODEL = 128
N_TABLE = 2048
NC, NS = 2, 16
NW = NC * NS
CHUNK = 64
NBUF = 10
LAG = 4


def _make_gather(B):
    b_per_w = B // NW
    n_chunks = b_per_w // CHUNK
    assert n_chunks % NBUF == 0 and n_chunks > NBUF
    n_groups = n_chunks // NBUF
    mesh = plsc.VectorSubcoreMesh(core_axis_name="c", subcore_axis_name="s")

    @functools.partial(
        pl.kernel,
        out_type=jax.ShapeDtypeStruct((B, D_MODEL), jnp.float32),
        mesh=mesh,
        scratch_types=[
            pltpu.VMEM((b_per_w,), jnp.int32),
            pltpu.VMEM_SHARED((N_TABLE, D_MODEL), jnp.float32),
            *[pltpu.VMEM((CHUNK, D_MODEL), jnp.float32) for _ in range(NBUF)],
            *[pltpu.SemaphoreType.DMA for _ in range(2 * NBUF)],
        ],
    )
    def gather_kernel(idx_hbm, pe_hbm, out_hbm, idx_v, table_sh, *bufs_and_sems):
        rows = bufs_and_sems[:NBUF]
        gsem = bufs_and_sems[NBUF:2 * NBUF]
        wsem = bufs_and_sems[2 * NBUF:]
        sid = lax.axis_index("s")
        wid = sid * NC + lax.axis_index("c")
        base = wid * b_per_w

        t_rows = N_TABLE // NS
        pltpu.sync_copy(pe_hbm.at[pl.ds(sid * t_rows, t_rows)],
                        table_sh.at[pl.ds(sid * t_rows, t_rows)])
        pltpu.sync_copy(idx_hbm.at[pl.ds(base, b_per_w)], idx_v)
        plsc.subcore_barrier()

        def gather_desc(b, ci):
            off = pl.multiple_of(ci * CHUNK, CHUNK)
            return pltpu.make_async_copy(
                table_sh.at[idx_v.at[pl.ds(off, CHUNK)]], rows[b], gsem[b])

        def write_desc(b, ci):
            off = pl.multiple_of(ci * CHUNK, CHUNK)
            return pltpu.make_async_copy(
                rows[b], out_hbm.at[pl.ds(base + off, CHUNK)], wsem[b])

        for b in range(NBUF - LAG):
            gather_desc(b, b).start()

        def group(g, carry):
            for b in range(NBUF):
                i = g * NBUF + b
                b2 = (b + NBUF - LAG) % NBUF
                gather_desc(b, i).wait()
                write_desc(b, i).start()

                @pl.when(i >= LAG)
                def _():
                    write_desc(b2, i - LAG).wait()

                nxt = i + NBUF - LAG

                @pl.when(nxt < n_chunks)
                def _():
                    gather_desc(b2, nxt).start()
            return carry

        lax.fori_loop(0, n_groups, group, 0)

        for j in range(LAG):
            ci = n_chunks - LAG + j
            write_desc(ci % NBUF, ci).wait()

    return gather_kernel


_B_TOTAL = 4096 * 200
_gather = _make_gather(_B_TOTAL)


def kernel(t, pe):
    idx = t.reshape(-1).astype(jnp.int32)
    out = _gather(idx, pe)
    return out.reshape(t.shape + (D_MODEL,))

# --- scband reference (transcript-rebuilt; emitter-appended) ---
"""Pipeline reference for scband-time-embedding-18975165514124 (READ-ONLY COPY).

The authoritative reference and input builder live on the scoring server;
editing this copy changes nothing except your own understanding.
"""

import jax, jax.numpy as jnp
import numpy as np
import math

D_MODEL = 128
MAX_WINDOW = 2048
SEQ_LEN = 5000

def _build_pe():
    position = jnp.arange(0, MAX_WINDOW, dtype=jnp.float32)[:, None]
    div_term = jnp.exp(jnp.arange(0, D_MODEL, 2, dtype=jnp.float32) * -(math.log(2 * SEQ_LEN) / D_MODEL))
    pe = jnp.zeros((MAX_WINDOW, D_MODEL), dtype=jnp.float32)
    pe = pe.at[:, 0::2].set(jnp.sin(position * div_term))
    pe = pe.at[:, 1::2].set(jnp.cos(position * div_term))
    return pe

def setup_inputs(seed: int = 0) -> dict:
    key = jax.random.key(seed)
    t = jax.random.randint(key, (4096, 200), 0, MAX_WINDOW, dtype=jnp.int64 if jax.config.jax_enable_x64 else jnp.int32)
    pe = _build_pe()
    return {"t": t, "pe": pe}

def reference(t, pe):
    # pe[t]: gather rows of the positional-encoding table
    return jnp.take(pe, t, axis=0)

if __name__ == "__main__":
    import jax
    _d = setup_inputs()
    print(jax.jit(kernel)(*tuple(_d.values())))

</pallas_src>

<mosaic_0001>
#map = affine_map<(d0, d1) -> (0)>
#map1 = affine_map<(d0, d1) -> (0, 0)>
module attributes {stable_mosaic.version = 14 : i64} {
  func.func @gather_kernel(%arg0: i32, %arg1: i32, %arg2: memref<819200xi32, #tpu.memory_space<hbm>>, %arg3: memref<2048x128xf32, #tpu.memory_space<hbm>>, %arg4: memref<819200x128xf32, #tpu.memory_space<hbm>>, %arg5: memref<25600xi32, #tpu.memory_space<vmem>>, %arg6: memref<2048x128xf32, #tpu.memory_space<vmem_shared>>, %arg7: memref<64x128xf32, #tpu.memory_space<vmem>>, %arg8: memref<64x128xf32, #tpu.memory_space<vmem>>, %arg9: memref<64x128xf32, #tpu.memory_space<vmem>>, %arg10: memref<64x128xf32, #tpu.memory_space<vmem>>, %arg11: memref<64x128xf32, #tpu.memory_space<vmem>>, %arg12: memref<64x128xf32, #tpu.memory_space<vmem>>, %arg13: memref<64x128xf32, #tpu.memory_space<vmem>>, %arg14: memref<64x128xf32, #tpu.memory_space<vmem>>, %arg15: memref<64x128xf32, #tpu.memory_space<vmem>>, %arg16: memref<64x128xf32, #tpu.memory_space<vmem>>, %arg17: memref<!tpu.dma_semaphore, #tpu.memory_space<semaphore_mem>>, %arg18: memref<!tpu.dma_semaphore, #tpu.memory_space<semaphore_mem>>, %arg19: memref<!tpu.dma_semaphore, #tpu.memory_space<semaphore_mem>>, %arg20: memref<!tpu.dma_semaphore, #tpu.memory_space<semaphore_mem>>, %arg21: memref<!tpu.dma_semaphore, #tpu.memory_space<semaphore_mem>>, %arg22: memref<!tpu.dma_semaphore, #tpu.memory_space<semaphore_mem>>, %arg23: memref<!tpu.dma_semaphore, #tpu.memory_space<semaphore_mem>>, %arg24: memref<!tpu.dma_semaphore, #tpu.memory_space<semaphore_mem>>, %arg25: memref<!tpu.dma_semaphore, #tpu.memory_space<semaphore_mem>>, %arg26: memref<!tpu.dma_semaphore, #tpu.memory_space<semaphore_mem>>, %arg27: memref<!tpu.dma_semaphore, #tpu.memory_space<semaphore_mem>>, %arg28: memref<!tpu.dma_semaphore, #tpu.memory_space<semaphore_mem>>, %arg29: memref<!tpu.dma_semaphore, #tpu.memory_space<semaphore_mem>>, %arg30: memref<!tpu.dma_semaphore, #tpu.memory_space<semaphore_mem>>, %arg31: memref<!tpu.dma_semaphore, #tpu.memory_space<semaphore_mem>>, %arg32: memref<!tpu.dma_semaphore, #tpu.memory_space<semaphore_mem>>, %arg33: memref<!tpu.dma_semaphore, #tpu.memory_space<semaphore_mem>>, %arg34: memref<!tpu.dma_semaphore, #tpu.memory_space<semaphore_mem>>, %arg35: memref<!tpu.dma_semaphore, #tpu.memory_space<semaphore_mem>>, %arg36: memref<!tpu.dma_semaphore, #tpu.memory_space<semaphore_mem>>) attributes {dimension_semantics = [#tpu.dimension_semantics<core_parallel>, #tpu.dimension_semantics<subcore_parallel>], iteration_bounds = array<i64: 2, 16>, scalar_prefetch = 0 : i64, scratch_operands = 32 : i64, tpu.core_type = #tpu.core_type<sc_vector_subcore>, window_params = [{transform_indices = #map}, {transform_indices = #map1}, {transform_indices = #map1}]} {
    %mul3A = arith.constant 2 : i32
    %mul3A_0 = arith.muli %arg1, %mul3A : i32
    %add3A = arith.addi %mul3A_0, %arg0 : i32
    %mul3A_1 = arith.constant 25600 : i32
    %mul3A_2 = arith.muli %add3A, %mul3A_1 : i32
    %mul3A_3 = arith.constant 128 : i32
    %mul3A_4 = arith.muli %arg1, %mul3A_3 : i32
    %mul3A_5 = arith.constant 128 : i32
    %mul3A_6 = arith.muli %arg1, %mul3A_5 : i32
    "tpu.region"() ({
      %run_scoped3A = tpu.sem_alloc : memref<!tpu.dma_semaphore, #tpu.memory_space<semaphore_mem>>
      %dma_start3A_73 = arith.constant 0 : i32
      %dma_start3A_74 = tpu.memref_slice %arg6[%mul3A_6, %dma_start3A_73] : memref<2048x128xf32, #tpu.memory_space<vmem_shared>> -> memref<128x128xf32, #tpu.memory_space<vmem_shared>>
      %dma_start3A_75 = arith.constant 0 : i32
      %dma_start3A_76 = tpu.memref_slice %arg3[%mul3A_4, %dma_start3A_75] : memref<2048x128xf32, #tpu.memory_space<hbm>> -> memref<128x128xf32, #tpu.memory_space<hbm>>
      tpu.enqueue_dma source(%dma_start3A_76 : memref<128x128xf32, #tpu.memory_space<hbm>>) target(%dma_start3A_74 : memref<128x128xf32, #tpu.memory_space<vmem_shared>>) target_semaphore(%run_scoped3A : memref<!tpu.dma_semaphore, #tpu.memory_space<semaphore_mem>>)
      %dma_wait3A_77 = arith.constant 0 : i32
      %dma_wait3A_78 = tpu.memref_slice %arg6[%mul3A_6, %dma_wait3A_77] : memref<2048x128xf32, #tpu.memory_space<vmem_shared>> -> memref<128x128xf32, #tpu.memory_space<vmem_shared>>
      %dma_wait3A_79 = arith.constant 0 : i32
      %dma_wait3A_80 = tpu.memref_slice %arg3[%mul3A_4, %dma_wait3A_79] : memref<2048x128xf32, #tpu.memory_space<hbm>> -> memref<128x128xf32, #tpu.memory_space<hbm>>
      tpu.wait_dma2 semaphore(%run_scoped3A : memref<!tpu.dma_semaphore, #tpu.memory_space<semaphore_mem>>) src(%dma_wait3A_80 : memref<128x128xf32, #tpu.memory_space<hbm>>) dst(%dma_wait3A_78 : memref<128x128xf32, #tpu.memory_space<vmem_shared>>)
      tpu.yield
    }) : () -> ()
    "tpu.region"() ({
      %run_scoped3A = tpu.sem_alloc : memref<!tpu.dma_semaphore, #tpu.memory_space<semaphore_mem>>
      %dma_start3A_73 = tpu.memref_slice %arg2[%mul3A_2] : memref<819200xi32, #tpu.memory_space<hbm>> -> memref<25600xi32, #tpu.memory_space<hbm>>
      %dma_start3A_74 = tpu.memref_slice %arg2[%mul3A_2] : memref<819200xi32, #tpu.memory_space<hbm>> -> memref<25600xi32, #tpu.memory_space<hbm>>
      tpu.enqueue_dma source(%dma_start3A_74 : memref<25600xi32, #tpu.memory_space<hbm>>) target(%arg5 : memref<25600xi32, #tpu.memory_space<vmem>>) target_semaphore(%run_scoped3A : memref<!tpu.dma_semaphore, #tpu.memory_space<semaphore_mem>>)
      %dma_wait3A_75 = tpu.memref_slice %arg2[%mul3A_2] : memref<819200xi32, #tpu.memory_space<hbm>> -> memref<25600xi32, #tpu.memory_space<hbm>>
      %dma_wait3A_76 = tpu.memref_slice %arg2[%mul3A_2] : memref<819200xi32, #tpu.memory_space<hbm>> -> memref<25600xi32, #tpu.memory_space<hbm>>
      tpu.wait_dma2 semaphore(%run_scoped3A : memref<!tpu.dma_semaphore, #tpu.memory_space<semaphore_mem>>) src(%dma_wait3A_76 : memref<25600xi32, #tpu.memory_space<hbm>>) dst(%arg5 : memref<25600xi32, #tpu.memory_space<vmem>>)
      tpu.yield
    }) : () -> ()
    %barrier3A = arith.constant 0 : index
    tpu.barrier barrier_id(%barrier3A)
    %multiple_of3A = arith.constant 0 : i32
    %multiple_of3A_7 = tpu.assume_multiple %multiple_of3A, 64 : i32
    %dma_start3A = tpu.memref_slice %arg5[%multiple_of3A_7] : memref<25600xi32, #tpu.memory_space<vmem>> -> memref<64xi32, #tpu.memory_space<vmem>>
    %dma_start3A_8 = arith.constant 0 : i32
    %dma_start3A_9 = arith.constant 0 : i32
    %dma_start3A_10 = tpu.memref_slice %arg6[%dma_start3A_8, %dma_start3A_9] : memref<2048x128xf32, #tpu.memory_space<vmem_shared>> -> memref<2048x128xf32, #tpu.memory_space<vmem_shared>>
    tpu.enqueue_indirect_dma source(%dma_start3A_10 : memref<2048x128xf32, #tpu.memory_space<vmem_shared>>) target(%arg7 : memref<64x128xf32, #tpu.memory_space<vmem>>) offsets(%dma_start3A : memref<64xi32, #tpu.memory_space<vmem>>) semaphore(%arg17 : memref<!tpu.dma_semaphore, #tpu.memory_space<semaphore_mem>>)
    %multiple_of3A_11 = arith.constant 64 : i32
    %multiple_of3A_12 = tpu.assume_multiple %multiple_of3A_11, 64 : i32
    %dma_start3A_13 = tpu.memref_slice %arg5[%multiple_of3A_12] : memref<25600xi32, #tpu.memory_space<vmem>> -> memref<64xi32, #tpu.memory_space<vmem>>
    %dma_start3A_14 = arith.constant 0 : i32
    %dma_start3A_15 = arith.constant 0 : i32
    %dma_start3A_16 = tpu.memref_slice %arg6[%dma_start3A_14, %dma_start3A_15] : memref<2048x128xf32, #tpu.memory_space<vmem_shared>> -> memref<2048x128xf32, #tpu.memory_space<vmem_shared>>
    tpu.enqueue_indirect_dma source(%dma_start3A_16 : memref<2048x128xf32, #tpu.memory_space<vmem_shared>>) target(%arg8 : memref<64x128xf32, #tpu.memory_space<vmem>>) offsets(%dma_start3A_13 : memref<64xi32, #tpu.memory_space<vmem>>) semaphore(%arg18 : memref<!tpu.dma_semaphore, #tpu.memory_space<semaphore_mem>>)
    %multiple_of3A_17 = arith.constant 128 : i32
    %multiple_of3A_18 = tpu.assume_multiple %multiple_of3A_17, 64 : i32
    %dma_start3A_19 = tpu.memref_slice %arg5[%multiple_of3A_18] : memref<25600xi32, #tpu.memory_space<vmem>> -> memref<64xi32, #tpu.memory_space<vmem>>
    %dma_start3A_20 = arith.constant 0 : i32
    %dma_start3A_21 = arith.constant 0 : i32
    %dma_start3A_22 = tpu.memref_slice %arg6[%dma_start3A_20, %dma_start3A_21] : memref<2048x128xf32, #tpu.memory_space<vmem_shared>> -> memref<2048x128xf32, #tpu.memory_space<vmem_shared>>
    tpu.enqueue_indirect_dma source(%dma_start3A_22 : memref<2048x128xf32, #tpu.memory_space<vmem_shared>>) target(%arg9 : memref<64x128xf32, #tpu.memory_space<vmem>>) offsets(%dma_start3A_19 : memref<64xi32, #tpu.memory_space<vmem>>) semaphore(%arg19 : memref<!tpu.dma_semaphore, #tpu.memory_space<semaphore_mem>>)
    %multiple_of3A_23 = arith.constant 192 : i32
    %multiple_of3A_24 = tpu.assume_multiple %multiple_of3A_23, 64 : i32
    %dma_start3A_25 = tpu.memref_slice %arg5[%multiple_of3A_24] : memref<25600xi32, #tpu.memory_space<vmem>> -> memref<64xi32, #tpu.memory_space<vmem>>
    %dma_start3A_26 = arith.constant 0 : i32
    %dma_start3A_27 = arith.constant 0 : i32
    %dma_start3A_28 = tpu.memref_slice %arg6[%dma_start3A_26, %dma_start3A_27] : memref<2048x128xf32, #tpu.memory_space<vmem_shared>> -> memref<2048x128xf32, #tpu.memory_space<vmem_shared>>
    tpu.enqueue_indirect_dma source(%dma_start3A_28 : memref<2048x128xf32, #tpu.memory_space<vmem_shared>>) target(%arg10 : memref<64x128xf32, #tpu.memory_space<vmem>>) offsets(%dma_start3A_25 : memref<64xi32, #tpu.memory_space<vmem>>) semaphore(%arg20 : memref<!tpu.dma_semaphore, #tpu.memory_space<semaphore_mem>>)
    %multiple_of3A_29 = arith.constant 256 : i32
    %multiple_of3A_30 = tpu.assume_multiple %multiple_of3A_29, 64 : i32
    %dma_start3A_31 = tpu.memref_slice %arg5[%multiple_of3A_30] : memref<25600xi32, #tpu.memory_space<vmem>> -> memref<64xi32, #tpu.memory_space<vmem>>
    %dma_start3A_32 = arith.constant 0 : i32
    %dma_start3A_33 = arith.constant 0 : i32
    %dma_start3A_34 = tpu.memref_slice %arg6[%dma_start3A_32, %dma_start3A_33] : memref<2048x128xf32, #tpu.memory_space<vmem_shared>> -> memref<2048x128xf32, #tpu.memory_space<vmem_shared>>
    tpu.enqueue_indirect_dma source(%dma_start3A_34 : memref<2048x128xf32, #tpu.memory_space<vmem_shared>>) target(%arg11 : memref<64x128xf32, #tpu.memory_space<vmem>>) offsets(%dma_start3A_31 : memref<64xi32, #tpu.memory_space<vmem>>) semaphore(%arg21 : memref<!tpu.dma_semaphore, #tpu.memory_space<semaphore_mem>>)
    %multiple_of3A_35 = arith.constant 320 : i32
    %multiple_of3A_36 = tpu.assume_multiple %multiple_of3A_35, 64 : i32
    %dma_start3A_37 = tpu.memref_slice %arg5[%multiple_of3A_36] : memref<25600xi32, #tpu.memory_space<vmem>> -> memref<64xi32, #tpu.memory_space<vmem>>
    %dma_start3A_38 = arith.constant 0 : i32
    %dma_start3A_39 = arith.constant 0 : i32
    %dma_start3A_40 = tpu.memref_slice %arg6[%dma_start3A_38, %dma_start3A_39] : memref<2048x128xf32, #tpu.memory_space<vmem_shared>> -> memref<2048x128xf32, #tpu.memory_space<vmem_shared>>
    tpu.enqueue_indirect_dma source(%dma_start3A_40 : memref<2048x128xf32, #tpu.memory_space<vmem_shared>>) target(%arg12 : memref<64x128xf32, #tpu.memory_space<vmem>>) offsets(%dma_start3A_37 : memref<64xi32, #tpu.memory_space<vmem>>) semaphore(%arg22 : memref<!tpu.dma_semaphore, #tpu.memory_space<semaphore_mem>>)
    %scan3A = arith.constant 0 : i32
    %scan3A_41 = arith.constant 0 : i32
    %scan3A_42 = arith.constant 40 : i32
    %scan3A_43 = arith.addi %scan3A_41, %scan3A_42 : i32
    %scan3A_44 = arith.constant 1 : i32
    scf.for %scan3A_73 = %scan3A_41 to %scan3A_43 step %scan3A_44  : i32 {
      %mul3A_74 = arith.constant 10 : i32
      %mul3A_75 = arith.muli %scan3A_73, %mul3A_74 : i32
      %add3A_76 = arith.constant 0 : i32
      %add3A_77 = arith.addi %mul3A_75, %add3A_76 : i32
      %mul3A_78 = arith.constant 64 : i32
      %mul3A_79 = arith.muli %add3A_77, %mul3A_78 : i32
      %multiple_of3A_80 = tpu.assume_multiple %mul3A_79, 64 : i32
      %dma_wait3A_81 = tpu.memref_slice %arg5[%multiple_of3A_80] : memref<25600xi32, #tpu.memory_space<vmem>> -> memref<64xi32, #tpu.memory_space<vmem>>
      %dma_wait3A_82 = arith.constant 0 : i32
      %dma_wait3A_83 = arith.constant 0 : i32
      %dma_wait3A_84 = tpu.memref_slice %arg6[%dma_wait3A_82, %dma_wait3A_83] : memref<2048x128xf32, #tpu.memory_space<vmem_shared>> -> memref<2048x128xf32, #tpu.memory_space<vmem_shared>>
      tpu.wait_indirect_dma semaphore(%arg17 : memref<!tpu.dma_semaphore, #tpu.memory_space<semaphore_mem>>) src(%dma_wait3A_84 : memref<2048x128xf32, #tpu.memory_space<vmem_shared>>) dst(%arg7 : memref<64x128xf32, #tpu.memory_space<vmem>>)
      %mul3A_85 = arith.constant 64 : i32
      %mul3A_86 = arith.muli %add3A_77, %mul3A_85 : i32
      %multiple_of3A_87 = tpu.assume_multiple %mul3A_86, 64 : i32
      %add3A_88 = arith.addi %mul3A_2, %multiple_of3A_87 : i32
      %dma_start3A_89 = arith.constant 0 : i32
      %dma_start3A_90 = tpu.memref_slice %arg4[%add3A_88, %dma_start3A_89] : memref<819200x128xf32, #tpu.memory_space<hbm>> -> memref<64x128xf32, #tpu.memory_space<hbm>>
      %dma_start3A_91 = arith.constant 0 : i32
      %dma_start3A_92 = tpu.memref_slice %arg4[%add3A_88, %dma_start3A_91] : memref<819200x128xf32, #tpu.memory_space<hbm>> -> memref<64x128xf32, #tpu.memory_space<hbm>>
      tpu.enqueue_dma source(%arg7 : memref<64x128xf32, #tpu.memory_space<vmem>>) target(%dma_start3A_92 : memref<64x128xf32, #tpu.memory_space<hbm>>) target_semaphore(%arg27 : memref<!tpu.dma_semaphore, #tpu.memory_space<semaphore_mem>>)
      %ge3A = arith.constant 4 : i32
      %ge3A_93 = arith.cmpi sge, %add3A_77, %ge3A : i32
      %convert_element_type3A = arith.extui %ge3A_93 : i1 to i32
      %cond3A = arith.constant 0 : i32
      %cond3A_94 = arith.cmpi ne, %convert_element_type3A, %cond3A : i32
      scf.if %cond3A_94 {
        %sub3A_399 = arith.constant 4 : i32
        %sub3A_400 = arith.subi %add3A_77, %sub3A_399 : i32
        %mul3A_401 = arith.constant 64 : i32
        %mul3A_402 = arith.muli %sub3A_400, %mul3A_401 : i32
        %multiple_of3A_403 = tpu.assume_multiple %mul3A_402, 64 : i32
        %add3A_404 = arith.addi %mul3A_2, %multiple_of3A_403 : i32
        %dma_wait3A_405 = arith.constant 0 : i32
        %dma_wait3A_406 = tpu.memref_slice %arg4[%add3A_404, %dma_wait3A_405] : memref<819200x128xf32, #tpu.memory_space<hbm>> -> memref<64x128xf32, #tpu.memory_space<hbm>>
        %dma_wait3A_407 = arith.constant 0 : i32
        %dma_wait3A_408 = tpu.memref_slice %arg4[%add3A_404, %dma_wait3A_407] : memref<819200x128xf32, #tpu.memory_space<hbm>> -> memref<64x128xf32, #tpu.memory_space<hbm>>
        tpu.wait_dma2 semaphore(%arg33 : memref<!tpu.dma_semaphore, #tpu.memory_space<semaphore_mem>>) src(%arg13 : memref<64x128xf32, #tpu.memory_space<vmem>>) dst(%dma_wait3A_408 : memref<64x128xf32, #tpu.memory_space<hbm>>)
      } else {
      }
      %add3A_95 = arith.constant 10 : i32
      %add3A_96 = arith.addi %add3A_77, %add3A_95 : i32
      %sub3A = arith.constant 4 : i32
      %sub3A_97 = arith.subi %add3A_96, %sub3A : i32
      %lt3A = arith.constant 400 : i32
      %lt3A_98 = arith.cmpi slt, %sub3A_97, %lt3A : i32
      %convert_element_type3A_99 = arith.extui %lt3A_98 : i1 to i32
      %cond3A_100 = arith.constant 0 : i32
      %cond3A_101 = arith.cmpi ne, %convert_element_type3A_99, %cond3A_100 : i32
      scf.if %cond3A_101 {
        %mul3A_399 = arith.constant 64 : i32
        %mul3A_400 = arith.muli %sub3A_97, %mul3A_399 : i32
        %multiple_of3A_401 = tpu.assume_multiple %mul3A_400, 64 : i32
        %dma_start3A_402 = tpu.memref_slice %arg5[%multiple_of3A_401] : memref<25600xi32, #tpu.memory_space<vmem>> -> memref<64xi32, #tpu.memory_space<vmem>>
        %dma_start3A_403 = arith.constant 0 : i32
        %dma_start3A_404 = arith.constant 0 : i32
        %dma_start3A_405 = tpu.memref_slice %arg6[%dma_start3A_403, %dma_start3A_404] : memref<2048x128xf32, #tpu.memory_space<vmem_shared>> -> memref<2048x128xf32, #tpu.memory_space<vmem_shared>>
        tpu.enqueue_indirect_dma source(%dma_start3A_405 : memref<2048x128xf32, #tpu.memory_space<vmem_shared>>) target(%arg13 : memref<64x128xf32, #tpu.memory_space<vmem>>) offsets(%dma_start3A_402 : memref<64xi32, #tpu.memory_space<vmem>>) semaphore(%arg23 : memref<!tpu.dma_semaphore, #tpu.memory_space<semaphore_mem>>)
      } else {
      }
      %mul3A_102 = arith.constant 10 : i32
      %mul3A_103 = arith.muli %scan3A_73, %mul3A_102 : i32
      %add3A_104 = arith.constant 1 : i32
      %add3A_105 = arith.addi %mul3A_103, %add3A_104 : i32
      %mul3A_106 = arith.constant 64 : i32
      %mul3A_107 = arith.muli %add3A_105, %mul3A_106 : i32
      %multiple_of3A_108 = tpu.assume_multiple %mul3A_107, 64 : i32
      %dma_wait3A_109 = tpu.memref_slice %arg5[%multiple_of3A_108] : memref<25600xi32, #tpu.memory_space<vmem>> -> memref<64xi32, #tpu.memory_space<vmem>>
      %dma_wait3A_110 = arith.constant 0 : i32
      %dma_wait3A_111 = arith.constant 0 : i32
      %dma_wait3A_112 = tpu.memref_slice %arg6[%dma_wait3A_110, %dma_wait3A_111] : memref<2048x128xf32, #tpu.memory_space<vmem_shared>> -> memref<2048x128xf32, #tpu.memory_space<vmem_shared>>
      tpu.wait_indirect_dma semaphore(%arg18 : memref<!tpu.dma_semaphore, #tpu.memory_space<semaphore_mem>>) src(%dma_wait3A_112 : memref<2048x128xf32, #tpu.memory_space<vmem_shared>>) dst(%arg8 : memref<64x128xf32, #tpu.memory_space<vmem>>)
      %mul3A_113 = arith.constant 64 : i32
      %mul3A_114 = arith.muli %add3A_105, %mul3A_113 : i32
      %multiple_of3A_115 = tpu.assume_multiple %mul3A_114, 64 : i32
      %add3A_116 = arith.addi %mul3A_2, %multiple_of3A_115 : i32
      %dma_start3A_117 = arith.constant 0 : i32
      %dma_start3A_118 = tpu.memref_slice %arg4[%add3A_116, %dma_start3A_117] : memref<819200x128xf32, #tpu.memory_space<hbm>> -> memref<64x128xf32, #tpu.memory_space<hbm>>
      %dma_start3A_119 = arith.constant 0 : i32
      %dma_start3A_120 = tpu.memref_slice %arg4[%add3A_116, %dma_start3A_119] : memref<819200x128xf32, #tpu.memory_space<hbm>> -> memref<64x128xf32, #tpu.memory_space<hbm>>
      tpu.enqueue_dma source(%arg8 : memref<64x128xf32, #tpu.memory_space<vmem>>) target(%dma_start3A_120 : memref<64x128xf32, #tpu.memory_space<hbm>>) target_semaphore(%arg28 : memref<!tpu.dma_semaphore, #tpu.memory_space<semaphore_mem>>)
      %ge3A_121 = arith.constant 4 : i32
      %ge3A_122 = arith.cmpi sge, %add3A_105, %ge3A_121 : i32
      %convert_element_type3A_123 = arith.extui %ge3A_122 : i1 to i32
      %cond3A_124 = arith.constant 0 : i32
      %cond3A_125 = arith.cmpi ne, %convert_element_type3A_123, %cond3A_124 : i32
      scf.if %cond3A_125 {
        %sub3A_399 = arith.constant 4 : i32
        %sub3A_400 = arith.subi %add3A_105, %sub3A_399 : i32
        %mul3A_401 = arith.constant 64 : i32
        %mul3A_402 = arith.muli %sub3A_400, %mul3A_401 : i32
        %multiple_of3A_403 = tpu.assume_multiple %mul3A_402, 64 : i32
        %add3A_404 = arith.addi %mul3A_2, %multiple_of3A_403 : i32
        %dma_wait3A_405 = arith.constant 0 : i32
        %dma_wait3A_406 = tpu.memref_slice %arg4[%add3A_404, %dma_wait3A_405] : memref<819200x128xf32, #tpu.memory_space<hbm>> -> memref<64x128xf32, #tpu.memory_space<hbm>>
        %dma_wait3A_407 = arith.constant 0 : i32
        %dma_wait3A_408 = tpu.memref_slice %arg4[%add3A_404, %dma_wait3A_407] : memref<819200x128xf32, #tpu.memory_space<hbm>> -> memref<64x128xf32, #tpu.memory_space<hbm>>
        tpu.wait_dma2 semaphore(%arg34 : memref<!tpu.dma_semaphore, #tpu.memory_space<semaphore_mem>>) src(%arg14 : memref<64x128xf32, #tpu.memory_space<vmem>>) dst(%dma_wait3A_408 : memref<64x128xf32, #tpu.memory_space<hbm>>)
      } else {
      }
      %add3A_126 = arith.constant 10 : i32
      %add3A_127 = arith.addi %add3A_105, %add3A_126 : i32
      %sub3A_128 = arith.constant 4 : i32
      %sub3A_129 = arith.subi %add3A_127, %sub3A_128 : i32
      %lt3A_130 = arith.constant 400 : i32
      %lt3A_131 = arith.cmpi slt, %sub3A_129, %lt3A_130 : i32
      %convert_element_type3A_132 = arith.extui %lt3A_131 : i1 to i32
      %cond3A_133 = arith.constant 0 : i32
      %cond3A_134 = arith.cmpi ne, %convert_element_type3A_132, %cond3A_133 : i32
      scf.if %cond3A_134 {
        %mul3A_399 = arith.constant 64 : i32
        %mul3A_400 = arith.muli %sub3A_129, %mul3A_399 : i32
        %multiple_of3A_401 = tpu.assume_multiple %mul3A_400, 64 : i32
        %dma_start3A_402 = tpu.memref_slice %arg5[%multiple_of3A_401] : memref<25600xi32, #tpu.memory_space<vmem>> -> memref<64xi32, #tpu.memory_space<vmem>>
        %dma_start3A_403 = arith.constant 0 : i32
        %dma_start3A_404 = arith.constant 0 : i32
        %dma_start3A_405 = tpu.memref_slice %arg6[%dma_start3A_403, %dma_start3A_404] : memref<2048x128xf32, #tpu.memory_space<vmem_shared>> -> memref<2048x128xf32, #tpu.memory_space<vmem_shared>>
        tpu.enqueue_indirect_dma source(%dma_start3A_405 : memref<2048x128xf32, #tpu.memory_space<vmem_shared>>) target(%arg14 : memref<64x128xf32, #tpu.memory_space<vmem>>) offsets(%dma_start3A_402 : memref<64xi32, #tpu.memory_space<vmem>>) semaphore(%arg24 : memref<!tpu.dma_semaphore, #tpu.memory_space<semaphore_mem>>)
      } else {
      }
      %mul3A_135 = arith.constant 10 : i32
      %mul3A_136 = arith.muli %scan3A_73, %mul3A_135 : i32
      %add3A_137 = arith.constant 2 : i32
      %add3A_138 = arith.addi %mul3A_136, %add3A_137 : i32
      %mul3A_139 = arith.constant 64 : i32
      %mul3A_140 = arith.muli %add3A_138, %mul3A_139 : i32
      %multiple_of3A_141 = tpu.assume_multiple %mul3A_140, 64 : i32
      %dma_wait3A_142 = tpu.memref_slice %arg5[%multiple_of3A_141] : memref<25600xi32, #tpu.memory_space<vmem>> -> memref<64xi32, #tpu.memory_space<vmem>>
      %dma_wait3A_143 = arith.constant 0 : i32
      %dma_wait3A_144 = arith.constant 0 : i32
      %dma_wait3A_145 = tpu.memref_slice %arg6[%dma_wait3A_143, %dma_wait3A_144] : memref<2048x128xf32, #tpu.memory_space<vmem_shared>> -> memref<2048x128xf32, #tpu.memory_space<vmem_shared>>
      tpu.wait_indirect_dma semaphore(%arg19 : memref<!tpu.dma_semaphore, #tpu.memory_space<semaphore_mem>>) src(%dma_wait3A_145 : memref<2048x128xf32, #tpu.memory_space<vmem_shared>>) dst(%arg9 : memref<64x128xf32, #tpu.memory_space<vmem>>)
      %mul3A_146 = arith.constant 64 : i32
      %mul3A_147 = arith.muli %add3A_138, %mul3A_146 : i32
      %multiple_of3A_148 = tpu.assume_multiple %mul3A_147, 64 : i32
      %add3A_149 = arith.addi %mul3A_2, %multiple_of3A_148 : i32
      %dma_start3A_150 = arith.constant 0 : i32
      %dma_start3A_151 = tpu.memref_slice %arg4[%add3A_149, %dma_start3A_150] : memref<819200x128xf32, #tpu.memory_space<hbm>> -> memref<64x128xf32, #tpu.memory_space<hbm>>
      %dma_start3A_152 = arith.constant 0 : i32
      %dma_start3A_153 = tpu.memref_slice %arg4[%add3A_149, %dma_start3A_152] : memref<819200x128xf32, #tpu.memory_space<hbm>> -> memref<64x128xf32, #tpu.memory_space<hbm>>
      tpu.enqueue_dma source(%arg9 : memref<64x128xf32, #tpu.memory_space<vmem>>) target(%dma_start3A_153 : memref<64x128xf32, #tpu.memory_space<hbm>>) target_semaphore(%arg29 : memref<!tpu.dma_semaphore, #tpu.memory_space<semaphore_mem>>)
      %ge3A_154 = arith.constant 4 : i32
      %ge3A_155 = arith.cmpi sge, %add3A_138, %ge3A_154 : i32
      %convert_element_type3A_156 = arith.extui %ge3A_155 : i1 to i32
      %cond3A_157 = arith.constant 0 : i32
      %cond3A_158 = arith.cmpi ne, %convert_element_type3A_156, %cond3A_157 : i32
      scf.if %cond3A_158 {
        %sub3A_399 = arith.constant 4 : i32
        %sub3A_400 = arith.subi %add3A_138, %sub3A_399 : i32
        %mul3A_401 = arith.constant 64 : i32
        %mul3A_402 = arith.muli %sub3A_400, %mul3A_401 : i32
        %multiple_of3A_403 = tpu.assume_multiple %mul3A_402, 64 : i32
        %add3A_404 = arith.addi %mul3A_2, %multiple_of3A_403 : i32
        %dma_wait3A_405 = arith.constant 0 : i32
        %dma_wait3A_406 = tpu.memref_slice %arg4[%add3A_404, %dma_wait3A_405] : memref<819200x128xf32, #tpu.memory_space<hbm>> -> memref<64x128xf32, #tpu.memory_space<hbm>>
        %dma_wait3A_407 = arith.constant 0 : i32
        %dma_wait3A_408 = tpu.memref_slice %arg4[%add3A_404, %dma_wait3A_407] : memref<819200x128xf32, #tpu.memory_space<hbm>> -> memref<64x128xf32, #tpu.memory_space<hbm>>
        tpu.wait_dma2 semaphore(%arg35 : memref<!tpu.dma_semaphore, #tpu.memory_space<semaphore_mem>>) src(%arg15 : memref<64x128xf32, #tpu.memory_space<vmem>>) dst(%dma_wait3A_408 : memref<64x128xf32, #tpu.memory_space<hbm>>)
      } else {
      }
      %add3A_159 = arith.constant 10 : i32
      %add3A_160 = arith.addi %add3A_138, %add3A_159 : i32
      %sub3A_161 = arith.constant 4 : i32
      %sub3A_162 = arith.subi %add3A_160, %sub3A_161 : i32
      %lt3A_163 = arith.constant 400 : i32
      %lt3A_164 = arith.cmpi slt, %sub3A_162, %lt3A_163 : i32
      %convert_element_type3A_165 = arith.extui %lt3A_164 : i1 to i32
      %cond3A_166 = arith.constant 0 : i32
      %cond3A_167 = arith.cmpi ne, %convert_element_type3A_165, %cond3A_166 : i32
      scf.if %cond3A_167 {
        %mul3A_399 = arith.constant 64 : i32
        %mul3A_400 = arith.muli %sub3A_162, %mul3A_399 : i32
        %multiple_of3A_401 = tpu.assume_multiple %mul3A_400, 64 : i32
        %dma_start3A_402 = tpu.memref_slice %arg5[%multiple_of3A_401] : memref<25600xi32, #tpu.memory_space<vmem>> -> memref<64xi32, #tpu.memory_space<vmem>>
        %dma_start3A_403 = arith.constant 0 : i32
        %dma_start3A_404 = arith.constant 0 : i32
        %dma_start3A_405 = tpu.memref_slice %arg6[%dma_start3A_403, %dma_start3A_404] : memref<2048x128xf32, #tpu.memory_space<vmem_shared>> -> memref<2048x128xf32, #tpu.memory_space<vmem_shared>>
        tpu.enqueue_indirect_dma source(%dma_start3A_405 : memref<2048x128xf32, #tpu.memory_space<vmem_shared>>) target(%arg15 : memref<64x128xf32, #tpu.memory_space<vmem>>) offsets(%dma_start3A_402 : memref<64xi32, #tpu.memory_space<vmem>>) semaphore(%arg25 : memref<!tpu.dma_semaphore, #tpu.memory_space<semaphore_mem>>)
      } else {
      }
      %mul3A_168 = arith.constant 10 : i32
      %mul3A_169 = arith.muli %scan3A_73, %mul3A_168 : i32
      %add3A_170 = arith.constant 3 : i32
      %add3A_171 = arith.addi %mul3A_169, %add3A_170 : i32
      %mul3A_172 = arith.constant 64 : i32
      %mul3A_173 = arith.muli %add3A_171, %mul3A_172 : i32
      %multiple_of3A_174 = tpu.assume_multiple %mul3A_173, 64 : i32
      %dma_wait3A_175 = tpu.memref_slice %arg5[%multiple_of3A_174] : memref<25600xi32, #tpu.memory_space<vmem>> -> memref<64xi32, #tpu.memory_space<vmem>>
      %dma_wait3A_176 = arith.constant 0 : i32
      %dma_wait3A_177 = arith.constant 0 : i32
      %dma_wait3A_178 = tpu.memref_slice %arg6[%dma_wait3A_176, %dma_wait3A_177] : memref<2048x128xf32, #tpu.memory_space<vmem_shared>> -> memref<2048x128xf32, #tpu.memory_space<vmem_shared>>
      tpu.wait_indirect_dma semaphore(%arg20 : memref<!tpu.dma_semaphore, #tpu.memory_space<semaphore_mem>>) src(%dma_wait3A_178 : memref<2048x128xf32, #tpu.memory_space<vmem_shared>>) dst(%arg10 : memref<64x128xf32, #tpu.memory_space<vmem>>)
      %mul3A_179 = arith.constant 64 : i32
      %mul3A_180 = arith.muli %add3A_171, %mul3A_179 : i32
      %multiple_of3A_181 = tpu.assume_multiple %mul3A_180, 64 : i32
      %add3A_182 = arith.addi %mul3A_2, %multiple_of3A_181 : i32
      %dma_start3A_183 = arith.constant 0 : i32
      %dma_start3A_184 = tpu.memref_slice %arg4[%add3A_182, %dma_start3A_183] : memref<819200x128xf32, #tpu.memory_space<hbm>> -> memref<64x128xf32, #tpu.memory_space<hbm>>
      %dma_start3A_185 = arith.constant 0 : i32
      %dma_start3A_186 = tpu.memref_slice %arg4[%add3A_182, %dma_start3A_185] : memref<819200x128xf32, #tpu.memory_space<hbm>> -> memref<64x128xf32, #tpu.memory_space<hbm>>
      tpu.enqueue_dma source(%arg10 : memref<64x128xf32, #tpu.memory_space<vmem>>) target(%dma_start3A_186 : memref<64x128xf32, #tpu.memory_space<hbm>>) target_semaphore(%arg30 : memref<!tpu.dma_semaphore, #tpu.memory_space<semaphore_mem>>)
      %ge3A_187 = arith.constant 4 : i32
      %ge3A_188 = arith.cmpi sge, %add3A_171, %ge3A_187 : i32
      %convert_element_type3A_189 = arith.extui %ge3A_188 : i1 to i32
      %cond3A_190 = arith.constant 0 : i32
      %cond3A_191 = arith.cmpi ne, %convert_element_type3A_189, %cond3A_190 : i32
      scf.if %cond3A_191 {
        %sub3A_399 = arith.constant 4 : i32
        %sub3A_400 = arith.subi %add3A_171, %sub3A_399 : i32
        %mul3A_401 = arith.constant 64 : i32
        %mul3A_402 = arith.muli %sub3A_400, %mul3A_401 : i32
        %multiple_of3A_403 = tpu.assume_multiple %mul3A_402, 64 : i32
        %add3A_404 = arith.addi %mul3A_2, %multiple_of3A_403 : i32
        %dma_wait3A_405 = arith.constant 0 : i32
        %dma_wait3A_406 = tpu.memref_slice %arg4[%add3A_404, %dma_wait3A_405] : memref<819200x128xf32, #tpu.memory_space<hbm>> -> memref<64x128xf32, #tpu.memory_space<hbm>>
        %dma_wait3A_407 = arith.constant 0 : i32
        %dma_wait3A_408 = tpu.memref_slice %arg4[%add3A_404, %dma_wait3A_407] : memref<819200x128xf32, #tpu.memory_space<hbm>> -> memref<64x128xf32, #tpu.memory_space<hbm>>
        tpu.wait_dma2 semaphore(%arg36 : memref<!tpu.dma_semaphore, #tpu.memory_space<semaphore_mem>>) src(%arg16 : memref<64x128xf32, #tpu.memory_space<vmem>>) dst(%dma_wait3A_408 : memref<64x128xf32, #tpu.memory_space<hbm>>)
      } else {
      }
      %add3A_192 = arith.constant 10 : i32
      %add3A_193 = arith.addi %add3A_171, %add3A_192 : i32
      %sub3A_194 = arith.constant 4 : i32
      %sub3A_195 = arith.subi %add3A_193, %sub3A_194 : i32
      %lt3A_196 = arith.constant 400 : i32
      %lt3A_197 = arith.cmpi slt, %sub3A_195, %lt3A_196 : i32
      %convert_element_type3A_198 = arith.extui %lt3A_197 : i1 to i32
      %cond3A_199 = arith.constant 0 : i32
      %cond3A_200 = arith.cmpi ne, %convert_element_type3A_198, %cond3A_199 : i32
      scf.if %cond3A_200 {
        %mul3A_399 = arith.constant 64 : i32
        %mul3A_400 = arith.muli %sub3A_195, %mul3A_399 : i32
        %multiple_of3A_401 = tpu.assume_multiple %mul3A_400, 64 : i32
        %dma_start3A_402 = tpu.memref_slice %arg5[%multiple_of3A_401] : memref<25600xi32, #tpu.memory_space<vmem>> -> memref<64xi32, #tpu.memory_space<vmem>>
        %dma_start3A_403 = arith.constant 0 : i32
        %dma_start3A_404 = arith.constant 0 : i32
        %dma_start3A_405 = tpu.memref_slice %arg6[%dma_start3A_403, %dma_start3A_404] : memref<2048x128xf32, #tpu.memory_space<vmem_shared>> -> memref<2048x128xf32, #tpu.memory_space<vmem_shared>>
        tpu.enqueue_indirect_dma source(%dma_start3A_405 : memref<2048x128xf32, #tpu.memory_space<vmem_shared>>) target(%arg16 : memref<64x128xf32, #tpu.memory_space<vmem>>) offsets(%dma_start3A_402 : memref<64xi32, #tpu.memory_space<vmem>>) semaphore(%arg26 : memref<!tpu.dma_semaphore, #tpu.memory_space<semaphore_mem>>)
      } else {
      }
      %mul3A_201 = arith.constant 10 : i32
      %mul3A_202 = arith.muli %scan3A_73, %mul3A_201 : i32
      %add3A_203 = arith.constant 4 : i32
      %add3A_204 = arith.addi %mul3A_202, %add3A_203 : i32
      %mul3A_205 = arith.constant 64 : i32
      %mul3A_206 = arith.muli %add3A_204, %mul3A_205 : i32
      %multiple_of3A_207 = tpu.assume_multiple %mul3A_206, 64 : i32
      %dma_wait3A_208 = tpu.memref_slice %arg5[%multiple_of3A_207] : memref<25600xi32, #tpu.memory_space<vmem>> -> memref<64xi32, #tpu.memory_space<vmem>>
      %dma_wait3A_209 = arith.constant 0 : i32
      %dma_wait3A_210 = arith.constant 0 : i32
      %dma_wait3A_211 = tpu.memref_slice %arg6[%dma_wait3A_209, %dma_wait3A_210] : memref<2048x128xf32, #tpu.memory_space<vmem_shared>> -> memref<2048x128xf32, #tpu.memory_space<vmem_shared>>
      tpu.wait_indirect_dma semaphore(%arg21 : memref<!tpu.dma_semaphore, #tpu.memory_space<semaphore_mem>>) src(%dma_wait3A_211 : memref<2048x128xf32, #tpu.memory_space<vmem_shared>>) dst(%arg11 : memref<64x128xf32, #tpu.memory_space<vmem>>)
      %mul3A_212 = arith.constant 64 : i32
      %mul3A_213 = arith.muli %add3A_204, %mul3A_212 : i32
      %multiple_of3A_214 = tpu.assume_multiple %mul3A_213, 64 : i32
      %add3A_215 = arith.addi %mul3A_2, %multiple_of3A_214 : i32
      %dma_start3A_216 = arith.constant 0 : i32
      %dma_start3A_217 = tpu.memref_slice %arg4[%add3A_215, %dma_start3A_216] : memref<819200x128xf32, #tpu.memory_space<hbm>> -> memref<64x128xf32, #tpu.memory_space<hbm>>
      %dma_start3A_218 = arith.constant 0 : i32
      %dma_start3A_219 = tpu.memref_slice %arg4[%add3A_215, %dma_start3A_218] : memref<819200x128xf32, #tpu.memory_space<hbm>> -> memref<64x128xf32, #tpu.memory_space<hbm>>
      tpu.enqueue_dma source(%arg11 : memref<64x128xf32, #tpu.memory_space<vmem>>) target(%dma_start3A_219 : memref<64x128xf32, #tpu.memory_space<hbm>>) target_semaphore(%arg31 : memref<!tpu.dma_semaphore, #tpu.memory_space<semaphore_mem>>)
      %ge3A_220 = arith.constant 4 : i32
      %ge3A_221 = arith.cmpi sge, %add3A_204, %ge3A_220 : i32
      %convert_element_type3A_222 = arith.extui %ge3A_221 : i1 to i32
      %cond3A_223 = arith.constant 0 : i32
      %cond3A_224 = arith.cmpi ne, %convert_element_type3A_222, %cond3A_223 : i32
      scf.if %cond3A_224 {
        %sub3A_399 = arith.constant 4 : i32
        %sub3A_400 = arith.subi %add3A_204, %sub3A_399 : i32
        %mul3A_401 = arith.constant 64 : i32
        %mul3A_402 = arith.muli %sub3A_400, %mul3A_401 : i32
        %multiple_of3A_403 = tpu.assume_multiple %mul3A_402, 64 : i32
        %add3A_404 = arith.addi %mul3A_2, %multiple_of3A_403 : i32
        %dma_wait3A_405 = arith.constant 0 : i32
        %dma_wait3A_406 = tpu.memref_slice %arg4[%add3A_404, %dma_wait3A_405] : memref<819200x128xf32, #tpu.memory_space<hbm>> -> memref<64x128xf32, #tpu.memory_space<hbm>>
        %dma_wait3A_407 = arith.constant 0 : i32
        %dma_wait3A_408 = tpu.memref_slice %arg4[%add3A_404, %dma_wait3A_407] : memref<819200x128xf32, #tpu.memory_space<hbm>> -> memref<64x128xf32, #tpu.memory_space<hbm>>
        tpu.wait_dma2 semaphore(%arg27 : memref<!tpu.dma_semaphore, #tpu.memory_space<semaphore_mem>>) src(%arg7 : memref<64x128xf32, #tpu.memory_space<vmem>>) dst(%dma_wait3A_408 : memref<64x128xf32, #tpu.memory_space<hbm>>)
      } else {
      }
      %add3A_225 = arith.constant 10 : i32
      %add3A_226 = arith.addi %add3A_204, %add3A_225 : i32
      %sub3A_227 = arith.constant 4 : i32
      %sub3A_228 = arith.subi %add3A_226, %sub3A_227 : i32
      %lt3A_229 = arith.constant 400 : i32
      %lt3A_230 = arith.cmpi slt, %sub3A_228, %lt3A_229 : i32
      %convert_element_type3A_231 = arith.extui %lt3A_230 : i1 to i32
      %cond3A_232 = arith.constant 0 : i32
      %cond3A_233 = arith.cmpi ne, %convert_element_type3A_231, %cond3A_232 : i32
      scf.if %cond3A_233 {
        %mul3A_399 = arith.constant 64 : i32
        %mul3A_400 = arith.muli %sub3A_228, %mul3A_399 : i32
        %multiple_of3A_401 = tpu.assume_multiple %mul3A_400, 64 : i32
        %dma_start3A_402 = tpu.memref_slice %arg5[%multiple_of3A_401] : memref<25600xi32, #tpu.memory_space<vmem>> -> memref<64xi32, #tpu.memory_space<vmem>>
        %dma_start3A_403 = arith.constant 0 : i32
        %dma_start3A_404 = arith.constant 0 : i32
        %dma_start3A_405 = tpu.memref_slice %arg6[%dma_start3A_403, %dma_start3A_404] : memref<2048x128xf32, #tpu.memory_space<vmem_shared>> -> memref<2048x128xf32, #tpu.memory_space<vmem_shared>>
        tpu.enqueue_indirect_dma source(%dma_start3A_405 : memref<2048x128xf32, #tpu.memory_space<vmem_shared>>) target(%arg7 : memref<64x128xf32, #tpu.memory_space<vmem>>) offsets(%dma_start3A_402 : memref<64xi32, #tpu.memory_space<vmem>>) semaphore(%arg17 : memref<!tpu.dma_semaphore, #tpu.memory_space<semaphore_mem>>)
      } else {
      }
      %mul3A_234 = arith.constant 10 : i32
      %mul3A_235 = arith.muli %scan3A_73, %mul3A_234 : i32
      %add3A_236 = arith.constant 5 : i32
      %add3A_237 = arith.addi %mul3A_235, %add3A_236 : i32
      %mul3A_238 = arith.constant 64 : i32
      %mul3A_239 = arith.muli %add3A_237, %mul3A_238 : i32
      %multiple_of3A_240 = tpu.assume_multiple %mul3A_239, 64 : i32
      %dma_wait3A_241 = tpu.memref_slice %arg5[%multiple_of3A_240] : memref<25600xi32, #tpu.memory_space<vmem>> -> memref<64xi32, #tpu.memory_space<vmem>>
      %dma_wait3A_242 = arith.constant 0 : i32
      %dma_wait3A_243 = arith.constant 0 : i32
      %dma_wait3A_244 = tpu.memref_slice %arg6[%dma_wait3A_242, %dma_wait3A_243] : memref<2048x128xf32, #tpu.memory_space<vmem_shared>> -> memref<2048x128xf32, #tpu.memory_space<vmem_shared>>
      tpu.wait_indirect_dma semaphore(%arg22 : memref<!tpu.dma_semaphore, #tpu.memory_space<semaphore_mem>>) src(%dma_wait3A_244 : memref<2048x128xf32, #tpu.memory_space<vmem_shared>>) dst(%arg12 : memref<64x128xf32, #tpu.memory_space<vmem>>)
      %mul3A_245 = arith.constant 64 : i32
      %mul3A_246 = arith.muli %add3A_237, %mul3A_245 : i32
      %multiple_of3A_247 = tpu.assume_multiple %mul3A_246, 64 : i32
      %add3A_248 = arith.addi %mul3A_2, %multiple_of3A_247 : i32
      %dma_start3A_249 = arith.constant 0 : i32
      %dma_start3A_250 = tpu.memref_slice %arg4[%add3A_248, %dma_start3A_249] : memref<819200x128xf32, #tpu.memory_space<hbm>> -> memref<64x128xf32, #tpu.memory_space<hbm>>
      %dma_start3A_251 = arith.constant 0 : i32
      %dma_start3A_252 = tpu.memref_slice %arg4[%add3A_248, %dma_start3A_251] : memref<819200x128xf32, #tpu.memory_space<hbm>> -> memref<64x128xf32, #tpu.memory_space<hbm>>
      tpu.enqueue_dma source(%arg12 : memref<64x128xf32, #tpu.memory_space<vmem>>) target(%dma_start3A_252 : memref<64x128xf32, #tpu.memory_space<hbm>>) target_semaphore(%arg32 : memref<!tpu.dma_semaphore, #tpu.memory_space<semaphore_mem>>)
      %ge3A_253 = arith.constant 4 : i32
      %ge3A_254 = arith.cmpi sge, %add3A_237, %ge3A_253 : i32
      %convert_element_type3A_255 = arith.extui %ge3A_254 : i1 to i32
      %cond3A_256 = arith.constant 0 : i32
      %cond3A_257 = arith.cmpi ne, %convert_element_type3A_255, %cond3A_256 : i32
      scf.if %cond3A_257 {
        %sub3A_399 = arith.constant 4 : i32
        %sub3A_400 = arith.subi %add3A_237, %sub3A_399 : i32
        %mul3A_401 = arith.constant 64 : i32
        %mul3A_402 = arith.muli %sub3A_400, %mul3A_401 : i32
        %multiple_of3A_403 = tpu.assume_multiple %mul3A_402, 64 : i32
        %add3A_404 = arith.addi %mul3A_2, %multiple_of3A_403 : i32
        %dma_wait3A_405 = arith.constant 0 : i32
        %dma_wait3A_406 = tpu.memref_slice %arg4[%add3A_404, %dma_wait3A_405] : memref<819200x128xf32, #tpu.memory_space<hbm>> -> memref<64x128xf32, #tpu.memory_space<hbm>>
        %dma_wait3A_407 = arith.constant 0 : i32
        %dma_wait3A_408 = tpu.memref_slice %arg4[%add3A_404, %dma_wait3A_407] : memref<819200x128xf32, #tpu.memory_space<hbm>> -> memref<64x128xf32, #tpu.memory_space<hbm>>
        tpu.wait_dma2 semaphore(%arg28 : memref<!tpu.dma_semaphore, #tpu.memory_space<semaphore_mem>>) src(%arg8 : memref<64x128xf32, #tpu.memory_space<vmem>>) dst(%dma_wait3A_408 : memref<64x128xf32, #tpu.memory_space<hbm>>)
      } else {
      }
      %add3A_258 = arith.constant 10 : i32
      %add3A_259 = arith.addi %add3A_237, %add3A_258 : i32
      %sub3A_260 = arith.constant 4 : i32
      %sub3A_261 = arith.subi %add3A_259, %sub3A_260 : i32
      %lt3A_262 = arith.constant 400 : i32
      %lt3A_263 = arith.cmpi slt, %sub3A_261, %lt3A_262 : i32
      %convert_element_type3A_264 = arith.extui %lt3A_263 : i1 to i32
      %cond3A_265 = arith.constant 0 : i32
      %cond3A_266 = arith.cmpi ne, %convert_element_type3A_264, %cond3A_265 : i32
      scf.if %cond3A_266 {
        %mul3A_399 = arith.constant 64 : i32
        %mul3A_400 = arith.muli %sub3A_261, %mul3A_399 : i32
        %multiple_of3A_401 = tpu.assume_multiple %mul3A_400, 64 : i32
        %dma_start3A_402 = tpu.memref_slice %arg5[%multiple_of3A_401] : memref<25600xi32, #tpu.memory_space<vmem>> -> memref<64xi32, #tpu.memory_space<vmem>>
        %dma_start3A_403 = arith.constant 0 : i32
        %dma_start3A_404 = arith.constant 0 : i32
        %dma_start3A_405 = tpu.memref_slice %arg6[%dma_start3A_403, %dma_start3A_404] : memref<2048x128xf32, #tpu.memory_space<vmem_shared>> -> memref<2048x128xf32, #tpu.memory_space<vmem_shared>>
        tpu.enqueue_indirect_dma source(%dma_start3A_405 : memref<2048x128xf32, #tpu.memory_space<vmem_shared>>) target(%arg8 : memref<64x128xf32, #tpu.memory_space<vmem>>) offsets(%dma_start3A_402 : memref<64xi32, #tpu.memory_space<vmem>>) semaphore(%arg18 : memref<!tpu.dma_semaphore, #tpu.memory_space<semaphore_mem>>)
      } else {
      }
      %mul3A_267 = arith.constant 10 : i32
      %mul3A_268 = arith.muli %scan3A_73, %mul3A_267 : i32
      %add3A_269 = arith.constant 6 : i32
      %add3A_270 = arith.addi %mul3A_268, %add3A_269 : i32
      %mul3A_271 = arith.constant 64 : i32
      %mul3A_272 = arith.muli %add3A_270, %mul3A_271 : i32
      %multiple_of3A_273 = tpu.assume_multiple %mul3A_272, 64 : i32
      %dma_wait3A_274 = tpu.memref_slice %arg5[%multiple_of3A_273] : memref<25600xi32, #tpu.memory_space<vmem>> -> memref<64xi32, #tpu.memory_space<vmem>>
      %dma_wait3A_275 = arith.constant 0 : i32
      %dma_wait3A_276 = arith.constant 0 : i32
      %dma_wait3A_277 = tpu.memref_slice %arg6[%dma_wait3A_275, %dma_wait3A_276] : memref<2048x128xf32, #tpu.memory_space<vmem_shared>> -> memref<2048x128xf32, #tpu.memory_space<vmem_shared>>
      tpu.wait_indirect_dma semaphore(%arg23 : memref<!tpu.dma_semaphore, #tpu.memory_space<semaphore_mem>>) src(%dma_wait3A_277 : memref<2048x128xf32, #tpu.memory_space<vmem_shared>>) dst(%arg13 : memref<64x128xf32, #tpu.memory_space<vmem>>)
      %mul3A_278 = arith.constant 64 : i32
      %mul3A_279 = arith.muli %add3A_270, %mul3A_278 : i32
      %multiple_of3A_280 = tpu.assume_multiple %mul3A_279, 64 : i32
      %add3A_281 = arith.addi %mul3A_2, %multiple_of3A_280 : i32
      %dma_start3A_282 = arith.constant 0 : i32
      %dma_start3A_283 = tpu.memref_slice %arg4[%add3A_281, %dma_start3A_282] : memref<819200x128xf32, #tpu.memory_space<hbm>> -> memref<64x128xf32, #tpu.memory_space<hbm>>
      %dma_start3A_284 = arith.constant 0 : i32
      %dma_start3A_285 = tpu.memref_slice %arg4[%add3A_281, %dma_start3A_284] : memref<819200x128xf32, #tpu.memory_space<hbm>> -> memref<64x128xf32, #tpu.memory_space<hbm>>
      tpu.enqueue_dma source(%arg13 : memref<64x128xf32, #tpu.memory_space<vmem>>) target(%dma_start3A_285 : memref<64x128xf32, #tpu.memory_space<hbm>>) target_semaphore(%arg33 : memref<!tpu.dma_semaphore, #tpu.memory_space<semaphore_mem>>)
      %ge3A_286 = arith.constant 4 : i32
      %ge3A_287 = arith.cmpi sge, %add3A_270, %ge3A_286 : i32
      %convert_element_type3A_288 = arith.extui %ge3A_287 : i1 to i32
      %cond3A_289 = arith.constant 0 : i32
      %cond3A_290 = arith.cmpi ne, %convert_element_type3A_288, %cond3A_289 : i32
      scf.if %cond3A_290 {
        %sub3A_399 = arith.constant 4 : i32
        %sub3A_400 = arith.subi %add3A_270, %sub3A_399 : i32
        %mul3A_401 = arith.constant 64 : i32
        %mul3A_402 = arith.muli %sub3A_400, %mul3A_401 : i32
        %multiple_of3A_403 = tpu.assume_multiple %mul3A_402, 64 : i32
        %add3A_404 = arith.addi %mul3A_2, %multiple_of3A_403 : i32
        %dma_wait3A_405 = arith.constant 0 : i32
        %dma_wait3A_406 = tpu.memref_slice %arg4[%add3A_404, %dma_wait3A_405] : memref<819200x128xf32, #tpu.memory_space<hbm>> -> memref<64x128xf32, #tpu.memory_space<hbm>>
        %dma_wait3A_407 = arith.constant 0 : i32
        %dma_wait3A_408 = tpu.memref_slice %arg4[%add3A_404, %dma_wait3A_407] : memref<819200x128xf32, #tpu.memory_space<hbm>> -> memref<64x128xf32, #tpu.memory_space<hbm>>
        tpu.wait_dma2 semaphore(%arg29 : memref<!tpu.dma_semaphore, #tpu.memory_space<semaphore_mem>>) src(%arg9 : memref<64x128xf32, #tpu.memory_space<vmem>>) dst(%dma_wait3A_408 : memref<64x128xf32, #tpu.memory_space<hbm>>)
      } else {
      }
      %add3A_291 = arith.constant 10 : i32
      %add3A_292 = arith.addi %add3A_270, %add3A_291 : i32
      %sub3A_293 = arith.constant 4 : i32
      %sub3A_294 = arith.subi %add3A_292, %sub3A_293 : i32
      %lt3A_295 = arith.constant 400 : i32
      %lt3A_296 = arith.cmpi slt, %sub3A_294, %lt3A_295 : i32
      %convert_element_type3A_297 = arith.extui %lt3A_296 : i1 to i32
      %cond3A_298 = arith.constant 0 : i32
      %cond3A_299 = arith.cmpi ne, %convert_element_type3A_297, %cond3A_298 : i32
      scf.if %cond3A_299 {
        %mul3A_399 = arith.constant 64 : i32
        %mul3A_400 = arith.muli %sub3A_294, %mul3A_399 : i32
        %multiple_of3A_401 = tpu.assume_multiple %mul3A_400, 64 : i32
        %dma_start3A_402 = tpu.memref_slice %arg5[%multiple_of3A_401] : memref<25600xi32, #tpu.memory_space<vmem>> -> memref<64xi32, #tpu.memory_space<vmem>>
        %dma_start3A_403 = arith.constant 0 : i32
        %dma_start3A_404 = arith.constant 0 : i32
        %dma_start3A_405 = tpu.memref_slice %arg6[%dma_start3A_403, %dma_start3A_404] : memref<2048x128xf32, #tpu.memory_space<vmem_shared>> -> memref<2048x128xf32, #tpu.memory_space<vmem_shared>>
        tpu.enqueue_indirect_dma source(%dma_start3A_405 : memref<2048x128xf32, #tpu.memory_space<vmem_shared>>) target(%arg9 : memref<64x128xf32, #tpu.memory_space<vmem>>) offsets(%dma_start3A_402 : memref<64xi32, #tpu.memory_space<vmem>>) semaphore(%arg19 : memref<!tpu.dma_semaphore, #tpu.memory_space<semaphore_mem>>)
      } else {
      }
      %mul3A_300 = arith.constant 10 : i32
      %mul3A_301 = arith.muli %scan3A_73, %mul3A_300 : i32
      %add3A_302 = arith.constant 7 : i32
      %add3A_303 = arith.addi %mul3A_301, %add3A_302 : i32
      %mul3A_304 = arith.constant 64 : i32
      %mul3A_305 = arith.muli %add3A_303, %mul3A_304 : i32
      %multiple_of3A_306 = tpu.assume_multiple %mul3A_305, 64 : i32
      %dma_wait3A_307 = tpu.memref_slice %arg5[%multiple_of3A_306] : memref<25600xi32, #tpu.memory_space<vmem>> -> memref<64xi32, #tpu.memory_space<vmem>>
      %dma_wait3A_308 = arith.constant 0 : i32
      %dma_wait3A_309 = arith.constant 0 : i32
      %dma_wait3A_310 = tpu.memref_slice %arg6[%dma_wait3A_308, %dma_wait3A_309] : memref<2048x128xf32, #tpu.memory_space<vmem_shared>> -> memref<2048x128xf32, #tpu.memory_space<vmem_shared>>
      tpu.wait_indirect_dma semaphore(%arg24 : memref<!tpu.dma_semaphore, #tpu.memory_space<semaphore_mem>>) src(%dma_wait3A_310 : memref<2048x128xf32, #tpu.memory_space<vmem_shared>>) dst(%arg14 : memref<64x128xf32, #tpu.memory_space<vmem>>)
      %mul3A_311 = arith.constant 64 : i32
      %mul3A_312 = arith.muli %add3A_303, %mul3A_311 : i32
      %multiple_of3A_313 = tpu.assume_multiple %mul3A_312, 64 : i32
      %add3A_314 = arith.addi %mul3A_2, %multiple_of3A_313 : i32
      %dma_start3A_315 = arith.constant 0 : i32
      %dma_start3A_316 = tpu.memref_slice %arg4[%add3A_314, %dma_start3A_315] : memref<819200x128xf32, #tpu.memory_space<hbm>> -> memref<64x128xf32, #tpu.memory_space<hbm>>
      %dma_start3A_317 = arith.constant 0 : i32
      %dma_start3A_318 = tpu.memref_slice %arg4[%add3A_314, %dma_start3A_317] : memref<819200x128xf32, #tpu.memory_space<hbm>> -> memref<64x128xf32, #tpu.memory_space<hbm>>
      tpu.enqueue_dma source(%arg14 : memref<64x128xf32, #tpu.memory_space<vmem>>) target(%dma_start3A_318 : memref<64x128xf32, #tpu.memory_space<hbm>>) target_semaphore(%arg34 : memref<!tpu.dma_semaphore, #tpu.memory_space<semaphore_mem>>)
      %ge3A_319 = arith.constant 4 : i32
      %ge3A_320 = arith.cmpi sge, %add3A_303, %ge3A_319 : i32
      %convert_element_type3A_321 = arith.extui %ge3A_320 : i1 to i32
      %cond3A_322 = arith.constant 0 : i32
      %cond3A_323 = arith.cmpi ne, %convert_element_type3A_321, %cond3A_322 : i32
      scf.if %cond3A_323 {
        %sub3A_399 = arith.constant 4 : i32
        %sub3A_400 = arith.subi %add3A_303, %sub3A_399 : i32
        %mul3A_401 = arith.constant 64 : i32
        %mul3A_402 = arith.muli %sub3A_400, %mul3A_401 : i32
        %multiple_of3A_403 = tpu.assume_multiple %mul3A_402, 64 : i32
        %add3A_404 = arith.addi %mul3A_2, %multiple_of3A_403 : i32
        %dma_wait3A_405 = arith.constant 0 : i32
        %dma_wait3A_406 = tpu.memref_slice %arg4[%add3A_404, %dma_wait3A_405] : memref<819200x128xf32, #tpu.memory_space<hbm>> -> memref<64x128xf32, #tpu.memory_space<hbm>>
        %dma_wait3A_407 = arith.constant 0 : i32
        %dma_wait3A_408 = tpu.memref_slice %arg4[%add3A_404, %dma_wait3A_407] : memref<819200x128xf32, #tpu.memory_space<hbm>> -> memref<64x128xf32, #tpu.memory_space<hbm>>
        tpu.wait_dma2 semaphore(%arg30 : memref<!tpu.dma_semaphore, #tpu.memory_space<semaphore_mem>>) src(%arg10 : memref<64x128xf32, #tpu.memory_space<vmem>>) dst(%dma_wait3A_408 : memref<64x128xf32, #tpu.memory_space<hbm>>)
      } else {
      }
      %add3A_324 = arith.constant 10 : i32
      %add3A_325 = arith.addi %add3A_303, %add3A_324 : i32
      %sub3A_326 = arith.constant 4 : i32
      %sub3A_327 = arith.subi %add3A_325, %sub3A_326 : i32
      %lt3A_328 = arith.constant 400 : i32
      %lt3A_329 = arith.cmpi slt, %sub3A_327, %lt3A_328 : i32
      %convert_element_type3A_330 = arith.extui %lt3A_329 : i1 to i32
      %cond3A_331 = arith.constant 0 : i32
      %cond3A_332 = arith.cmpi ne, %convert_element_type3A_330, %cond3A_331 : i32
      scf.if %cond3A_332 {
        %mul3A_399 = arith.constant 64 : i32
        %mul3A_400 = arith.muli %sub3A_327, %mul3A_399 : i32
        %multiple_of3A_401 = tpu.assume_multiple %mul3A_400, 64 : i32
        %dma_start3A_402 = tpu.memref_slice %arg5[%multiple_of3A_401] : memref<25600xi32, #tpu.memory_space<vmem>> -> memref<64xi32, #tpu.memory_space<vmem>>
        %dma_start3A_403 = arith.constant 0 : i32
        %dma_start3A_404 = arith.constant 0 : i32
        %dma_start3A_405 = tpu.memref_slice %arg6[%dma_start3A_403, %dma_start3A_404] : memref<2048x128xf32, #tpu.memory_space<vmem_shared>> -> memref<2048x128xf32, #tpu.memory_space<vmem_shared>>
        tpu.enqueue_indirect_dma source(%dma_start3A_405 : memref<2048x128xf32, #tpu.memory_space<vmem_shared>>) target(%arg10 : memref<64x128xf32, #tpu.memory_space<vmem>>) offsets(%dma_start3A_402 : memref<64xi32, #tpu.memory_space<vmem>>) semaphore(%arg20 : memref<!tpu.dma_semaphore, #tpu.memory_space<semaphore_mem>>)
      } else {
      }
      %mul3A_333 = arith.constant 10 : i32
      %mul3A_334 = arith.muli %scan3A_73, %mul3A_333 : i32
      %add3A_335 = arith.constant 8 : i32
      %add3A_336 = arith.addi %mul3A_334, %add3A_335 : i32
      %mul3A_337 = arith.constant 64 : i32
      %mul3A_338 = arith.muli %add3A_336, %mul3A_337 : i32
      %multiple_of3A_339 = tpu.assume_multiple %mul3A_338, 64 : i32
      %dma_wait3A_340 = tpu.memref_slice %arg5[%multiple_of3A_339] : memref<25600xi32, #tpu.memory_space<vmem>> -> memref<64xi32, #tpu.memory_space<vmem>>
      %dma_wait3A_341 = arith.constant 0 : i32
      %dma_wait3A_342 = arith.constant 0 : i32
      %dma_wait3A_343 = tpu.memref_slice %arg6[%dma_wait3A_341, %dma_wait3A_342] : memref<2048x128xf32, #tpu.memory_space<vmem_shared>> -> memref<2048x128xf32, #tpu.memory_space<vmem_shared>>
      tpu.wait_indirect_dma semaphore(%arg25 : memref<!tpu.dma_semaphore, #tpu.memory_space<semaphore_mem>>) src(%dma_wait3A_343 : memref<2048x128xf32, #tpu.memory_space<vmem_shared>>) dst(%arg15 : memref<64x128xf32, #tpu.memory_space<vmem>>)
      %mul3A_344 = arith.constant 64 : i32
      %mul3A_345 = arith.muli %add3A_336, %mul3A_344 : i32
      %multiple_of3A_346 = tpu.assume_multiple %mul3A_345, 64 : i32
      %add3A_347 = arith.addi %mul3A_2, %multiple_of3A_346 : i32
      %dma_start3A_348 = arith.constant 0 : i32
      %dma_start3A_349 = tpu.memref_slice %arg4[%add3A_347, %dma_start3A_348] : memref<819200x128xf32, #tpu.memory_space<hbm>> -> memref<64x128xf32, #tpu.memory_space<hbm>>
      %dma_start3A_350 = arith.constant 0 : i32
      %dma_start3A_351 = tpu.memref_slice %arg4[%add3A_347, %dma_start3A_350] : memref<819200x128xf32, #tpu.memory_space<hbm>> -> memref<64x128xf32, #tpu.memory_space<hbm>>
      tpu.enqueue_dma source(%arg15 : memref<64x128xf32, #tpu.memory_space<vmem>>) target(%dma_start3A_351 : memref<64x128xf32, #tpu.memory_space<hbm>>) target_semaphore(%arg35 : memref<!tpu.dma_semaphore, #tpu.memory_space<semaphore_mem>>)
      %ge3A_352 = arith.constant 4 : i32
      %ge3A_353 = arith.cmpi sge, %add3A_336, %ge3A_352 : i32
      %convert_element_type3A_354 = arith.extui %ge3A_353 : i1 to i32
      %cond3A_355 = arith.constant 0 : i32
      %cond3A_356 = arith.cmpi ne, %convert_element_type3A_354, %cond3A_355 : i32
      scf.if %cond3A_356 {
        %sub3A_399 = arith.constant 4 : i32
        %sub3A_400 = arith.subi %add3A_336, %sub3A_399 : i32
        %mul3A_401 = arith.constant 64 : i32
        %mul3A_402 = arith.muli %sub3A_400, %mul3A_401 : i32
        %multiple_of3A_403 = tpu.assume_multiple %mul3A_402, 64 : i32
        %add3A_404 = arith.addi %mul3A_2, %multiple_of3A_403 : i32
        %dma_wait3A_405 = arith.constant 0 : i32
        %dma_wait3A_406 = tpu.memref_slice %arg4[%add3A_404, %dma_wait3A_405] : memref<819200x128xf32, #tpu.memory_space<hbm>> -> memref<64x128xf32, #tpu.memory_space<hbm>>
        %dma_wait3A_407 = arith.constant 0 : i32
        %dma_wait3A_408 = tpu.memref_slice %arg4[%add3A_404, %dma_wait3A_407] : memref<819200x128xf32, #tpu.memory_space<hbm>> -> memref<64x128xf32, #tpu.memory_space<hbm>>
        tpu.wait_dma2 semaphore(%arg31 : memref<!tpu.dma_semaphore, #tpu.memory_space<semaphore_mem>>) src(%arg11 : memref<64x128xf32, #tpu.memory_space<vmem>>) dst(%dma_wait3A_408 : memref<64x128xf32, #tpu.memory_space<hbm>>)
      } else {
      }
      %add3A_357 = arith.constant 10 : i32
      %add3A_358 = arith.addi %add3A_336, %add3A_357 : i32
      %sub3A_359 = arith.constant 4 : i32
      %sub3A_360 = arith.subi %add3A_358, %sub3A_359 : i32
      %lt3A_361 = arith.constant 400 : i32
      %lt3A_362 = arith.cmpi slt, %sub3A_360, %lt3A_361 : i32
      %convert_element_type3A_363 = arith.extui %lt3A_362 : i1 to i32
      %cond3A_364 = arith.constant 0 : i32
      %cond3A_365 = arith.cmpi ne, %convert_element_type3A_363, %cond3A_364 : i32
      scf.if %cond3A_365 {
        %mul3A_399 = arith.constant 64 : i32
        %mul3A_400 = arith.muli %sub3A_360, %mul3A_399 : i32
        %multiple_of3A_401 = tpu.assume_multiple %mul3A_400, 64 : i32
        %dma_start3A_402 = tpu.memref_slice %arg5[%multiple_of3A_401] : memref<25600xi32, #tpu.memory_space<vmem>> -> memref<64xi32, #tpu.memory_space<vmem>>
        %dma_start3A_403 = arith.constant 0 : i32
        %dma_start3A_404 = arith.constant 0 : i32
        %dma_start3A_405 = tpu.memref_slice %arg6[%dma_start3A_403, %dma_start3A_404] : memref<2048x128xf32, #tpu.memory_space<vmem_shared>> -> memref<2048x128xf32, #tpu.memory_space<vmem_shared>>
        tpu.enqueue_indirect_dma source(%dma_start3A_405 : memref<2048x128xf32, #tpu.memory_space<vmem_shared>>) target(%arg11 : memref<64x128xf32, #tpu.memory_space<vmem>>) offsets(%dma_start3A_402 : memref<64xi32, #tpu.memory_space<vmem>>) semaphore(%arg21 : memref<!tpu.dma_semaphore, #tpu.memory_space<semaphore_mem>>)
      } else {
      }
      %mul3A_366 = arith.constant 10 : i32
      %mul3A_367 = arith.muli %scan3A_73, %mul3A_366 : i32
      %add3A_368 = arith.constant 9 : i32
      %add3A_369 = arith.addi %mul3A_367, %add3A_368 : i32
      %mul3A_370 = arith.constant 64 : i32
      %mul3A_371 = arith.muli %add3A_369, %mul3A_370 : i32
      %multiple_of3A_372 = tpu.assume_multiple %mul3A_371, 64 : i32
      %dma_wait3A_373 = tpu.memref_slice %arg5[%multiple_of3A_372] : memref<25600xi32, #tpu.memory_space<vmem>> -> memref<64xi32, #tpu.memory_space<vmem>>
      %dma_wait3A_374 = arith.constant 0 : i32
      %dma_wait3A_375 = arith.constant 0 : i32
      %dma_wait3A_376 = tpu.memref_slice %arg6[%dma_wait3A_374, %dma_wait3A_375] : memref<2048x128xf32, #tpu.memory_space<vmem_shared>> -> memref<2048x128xf32, #tpu.memory_space<vmem_shared>>
      tpu.wait_indirect_dma semaphore(%arg26 : memref<!tpu.dma_semaphore, #tpu.memory_space<semaphore_mem>>) src(%dma_wait3A_376 : memref<2048x128xf32, #tpu.memory_space<vmem_shared>>) dst(%arg16 : memref<64x128xf32, #tpu.memory_space<vmem>>)
      %mul3A_377 = arith.constant 64 : i32
      %mul3A_378 = arith.muli %add3A_369, %mul3A_377 : i32
      %multiple_of3A_379 = tpu.assume_multiple %mul3A_378, 64 : i32
      %add3A_380 = arith.addi %mul3A_2, %multiple_of3A_379 : i32
      %dma_start3A_381 = arith.constant 0 : i32
      %dma_start3A_382 = tpu.memref_slice %arg4[%add3A_380, %dma_start3A_381] : memref<819200x128xf32, #tpu.memory_space<hbm>> -> memref<64x128xf32, #tpu.memory_space<hbm>>
      %dma_start3A_383 = arith.constant 0 : i32
      %dma_start3A_384 = tpu.memref_slice %arg4[%add3A_380, %dma_start3A_383] : memref<819200x128xf32, #tpu.memory_space<hbm>> -> memref<64x128xf32, #tpu.memory_space<hbm>>
      tpu.enqueue_dma source(%arg16 : memref<64x128xf32, #tpu.memory_space<vmem>>) target(%dma_start3A_384 : memref<64x128xf32, #tpu.memory_space<hbm>>) target_semaphore(%arg36 : memref<!tpu.dma_semaphore, #tpu.memory_space<semaphore_mem>>)
      %ge3A_385 = arith.constant 4 : i32
      %ge3A_386 = arith.cmpi sge, %add3A_369, %ge3A_385 : i32
      %convert_element_type3A_387 = arith.extui %ge3A_386 : i1 to i32
      %cond3A_388 = arith.constant 0 : i32
      %cond3A_389 = arith.cmpi ne, %convert_element_type3A_387, %cond3A_388 : i32
      scf.if %cond3A_389 {
        %sub3A_399 = arith.constant 4 : i32
        %sub3A_400 = arith.subi %add3A_369, %sub3A_399 : i32
        %mul3A_401 = arith.constant 64 : i32
        %mul3A_402 = arith.muli %sub3A_400, %mul3A_401 : i32
        %multiple_of3A_403 = tpu.assume_multiple %mul3A_402, 64 : i32
        %add3A_404 = arith.addi %mul3A_2, %multiple_of3A_403 : i32
        %dma_wait3A_405 = arith.constant 0 : i32
        %dma_wait3A_406 = tpu.memref_slice %arg4[%add3A_404, %dma_wait3A_405] : memref<819200x128xf32, #tpu.memory_space<hbm>> -> memref<64x128xf32, #tpu.memory_space<hbm>>
        %dma_wait3A_407 = arith.constant 0 : i32
        %dma_wait3A_408 = tpu.memref_slice %arg4[%add3A_404, %dma_wait3A_407] : memref<819200x128xf32, #tpu.memory_space<hbm>> -> memref<64x128xf32, #tpu.memory_space<hbm>>
        tpu.wait_dma2 semaphore(%arg32 : memref<!tpu.dma_semaphore, #tpu.memory_space<semaphore_mem>>) src(%arg12 : memref<64x128xf32, #tpu.memory_space<vmem>>) dst(%dma_wait3A_408 : memref<64x128xf32, #tpu.memory_space<hbm>>)
      } else {
      }
      %add3A_390 = arith.constant 10 : i32
      %add3A_391 = arith.addi %add3A_369, %add3A_390 : i32
      %sub3A_392 = arith.constant 4 : i32
      %sub3A_393 = arith.subi %add3A_391, %sub3A_392 : i32
      %lt3A_394 = arith.constant 400 : i32
      %lt3A_395 = arith.cmpi slt, %sub3A_393, %lt3A_394 : i32
      %convert_element_type3A_396 = arith.extui %lt3A_395 : i1 to i32
      %cond3A_397 = arith.constant 0 : i32
      %cond3A_398 = arith.cmpi ne, %convert_element_type3A_396, %cond3A_397 : i32
      scf.if %cond3A_398 {
        %mul3A_399 = arith.constant 64 : i32
        %mul3A_400 = arith.muli %sub3A_393, %mul3A_399 : i32
        %multiple_of3A_401 = tpu.assume_multiple %mul3A_400, 64 : i32
        %dma_start3A_402 = tpu.memref_slice %arg5[%multiple_of3A_401] : memref<25600xi32, #tpu.memory_space<vmem>> -> memref<64xi32, #tpu.memory_space<vmem>>
        %dma_start3A_403 = arith.constant 0 : i32
        %dma_start3A_404 = arith.constant 0 : i32
        %dma_start3A_405 = tpu.memref_slice %arg6[%dma_start3A_403, %dma_start3A_404] : memref<2048x128xf32, #tpu.memory_space<vmem_shared>> -> memref<2048x128xf32, #tpu.memory_space<vmem_shared>>
        tpu.enqueue_indirect_dma source(%dma_start3A_405 : memref<2048x128xf32, #tpu.memory_space<vmem_shared>>) target(%arg12 : memref<64x128xf32, #tpu.memory_space<vmem>>) offsets(%dma_start3A_402 : memref<64xi32, #tpu.memory_space<vmem>>) semaphore(%arg22 : memref<!tpu.dma_semaphore, #tpu.memory_space<semaphore_mem>>)
      } else {
      }
    }
    %scan3A_45 = arith.constant 40 : i32
    %multiple_of3A_46 = arith.constant 25344 : i32
    %multiple_of3A_47 = tpu.assume_multiple %multiple_of3A_46, 64 : i32
    %add3A_48 = arith.addi %mul3A_2, %multiple_of3A_47 : i32
    %dma_wait3A = arith.constant 0 : i32
    %dma_wait3A_49 = tpu.memref_slice %arg4[%add3A_48, %dma_wait3A] : memref<819200x128xf32, #tpu.memory_space<hbm>> -> memref<64x128xf32, #tpu.memory_space<hbm>>
    %dma_wait3A_50 = arith.constant 0 : i32
    %dma_wait3A_51 = tpu.memref_slice %arg4[%add3A_48, %dma_wait3A_50] : memref<819200x128xf32, #tpu.memory_space<hbm>> -> memref<64x128xf32, #tpu.memory_space<hbm>>
    tpu.wait_dma2 semaphore(%arg33 : memref<!tpu.dma_semaphore, #tpu.memory_space<semaphore_mem>>) src(%arg13 : memref<64x128xf32, #tpu.memory_space<vmem>>) dst(%dma_wait3A_51 : memref<64x128xf32, #tpu.memory_space<hbm>>)
    %multiple_of3A_52 = arith.constant 25408 : i32
    %multiple_of3A_53 = tpu.assume_multiple %multiple_of3A_52, 64 : i32
    %add3A_54 = arith.addi %mul3A_2, %multiple_of3A_53 : i32
    %dma_wait3A_55 = arith.constant 0 : i32
    %dma_wait3A_56 = tpu.memref_slice %arg4[%add3A_54, %dma_wait3A_55] : memref<819200x128xf32, #tpu.memory_space<hbm>> -> memref<64x128xf32, #tpu.memory_space<hbm>>
    %dma_wait3A_57 = arith.constant 0 : i32
    %dma_wait3A_58 = tpu.memref_slice %arg4[%add3A_54, %dma_wait3A_57] : memref<819200x128xf32, #tpu.memory_space<hbm>> -> memref<64x128xf32, #tpu.memory_space<hbm>>
    tpu.wait_dma2 semaphore(%arg34 : memref<!tpu.dma_semaphore, #tpu.memory_space<semaphore_mem>>) src(%arg14 : memref<64x128xf32, #tpu.memory_space<vmem>>) dst(%dma_wait3A_58 : memref<64x128xf32, #tpu.memory_space<hbm>>)
    %multiple_of3A_59 = arith.constant 25472 : i32
    %multiple_of3A_60 = tpu.assume_multiple %multiple_of3A_59, 64 : i32
    %add3A_61 = arith.addi %mul3A_2, %multiple_of3A_60 : i32
    %dma_wait3A_62 = arith.constant 0 : i32
    %dma_wait3A_63 = tpu.memref_slice %arg4[%add3A_61, %dma_wait3A_62] : memref<819200x128xf32, #tpu.memory_space<hbm>> -> memref<64x128xf32, #tpu.memory_space<hbm>>
    %dma_wait3A_64 = arith.constant 0 : i32
    %dma_wait3A_65 = tpu.memref_slice %arg4[%add3A_61, %dma_wait3A_64] : memref<819200x128xf32, #tpu.memory_space<hbm>> -> memref<64x128xf32, #tpu.memory_space<hbm>>
    tpu.wait_dma2 semaphore(%arg35 : memref<!tpu.dma_semaphore, #tpu.memory_space<semaphore_mem>>) src(%arg15 : memref<64x128xf32, #tpu.memory_space<vmem>>) dst(%dma_wait3A_65 : memref<64x128xf32, #tpu.memory_space<hbm>>)
    %multiple_of3A_66 = arith.constant 25536 : i32
    %multiple_of3A_67 = tpu.assume_multiple %multiple_of3A_66, 64 : i32
    %add3A_68 = arith.addi %mul3A_2, %multiple_of3A_67 : i32
    %dma_wait3A_69 = arith.constant 0 : i32
    %dma_wait3A_70 = tpu.memref_slice %arg4[%add3A_68, %dma_wait3A_69] : memref<819200x128xf32, #tpu.memory_space<hbm>> -> memref<64x128xf32, #tpu.memory_space<hbm>>
    %dma_wait3A_71 = arith.constant 0 : i32
    %dma_wait3A_72 = tpu.memref_slice %arg4[%add3A_68, %dma_wait3A_71] : memref<819200x128xf32, #tpu.memory_space<hbm>> -> memref<64x128xf32, #tpu.memory_space<hbm>>
    tpu.wait_dma2 semaphore(%arg36 : memref<!tpu.dma_semaphore, #tpu.memory_space<semaphore_mem>>) src(%arg16 : memref<64x128xf32, #tpu.memory_space<vmem>>) dst(%dma_wait3A_72 : memref<64x128xf32, #tpu.memory_space<hbm>>)
    return
  }
}

</mosaic_0001>

<sc_bundles>
// kernel: kernel.3.cloned.1.call-start
scs
__scs_entry_jumppad:
0x0: {  	(pc) =	sbr.rel $0x88, $3  }
0x1: {  	(tag) =	ssettag $0x0;
	lr =	simm.s32 $0x1  }
0x2: {  	[smem:$0x3F9F] =	sst lr;
	_ =	strace $0xD0000000  }
0x3: {  	_ = 	snop  }
0x4: {  	_ = 	snop  }
0x5: {  	_ = 	snop  }
0x6: {  	_ = 	snop  }
0x7: {  	_ = 	snop  }
__scs_overlays_trampoline_lowered:
0x8: {  	[smem:$0x3FAE] =	sst s0  }
0x9: {  	[smem:$0x3FAF] =	sst s1  }
0xa: {  	[smem:$0x3FB0] =	sst s2  }
0xb: {  	[smem:$0x3FB1] =	sst s3  }
0xc: {  	[smem:$0x3FB2] =	sst s4  }
0xd: {  	[smem:$0x3FB3] =	sst s5  }
0xe: {  	[smem:$0x3FB4] =	sst s6  }
0xf: {  	[smem:$0x3FB5] =	sst s7  }
0x10: {  	[smem:$0x3FB6] =	sst s8  }
0x11: {  	[smem:$0x3FB7] =	sst s9;
	s0 =	simm.s32 @!p0 $0x0  }
0x12: {  	s1 =	sld [smem:$0x3F9D];
	s0 =	simm.s32 @p0 $0x1  }
0x13: {  	[smem:$0x3FB8] =	sst s0;
	s0 =	simm.s32 @!p1 $0x0  }
0x14: {  	s2 =	sld [smem:$0x3F9C];
	s0 =	simm.s32 @p1 $0x1  }
0x15: {  	[smem:$0x3FB9] =	sst s0;
	s0 =	simm.s32 @!p2 $0x0  }
0x16: {  	s3 =	sld [smem:$0x3FDB];
	s0 =	simm.s32 @p2 $0x1  }
0x17: {  	s4 =	simm.s32 $0x1BF5;
	[smem:$0x3FBB] =	sst s0  }
0x18: {  	s0 =	sld [smem:$0x3F9E];
	_ =	swait.ge [sflag:s4], $0x0  }
0x19: {  	s7 =	sld [smem:$0x3F9F]  }
0x1a: {  	s8 =	sadd.s32 $0xFFFFE003, lr  }
0x1b: {  	s9 =	sadd.s32 $0xFFFFFEF7, lr;
	s5 =	simm.s32 $0xFFFFFFFF;
	p2 =	slt.u32 s8, $0xFFFFF086  }
0x1c: {  	p1 =	slt.u32 s9, $0xF7A;
	s5 =	simm.s32 @!p2 $0x0  }
0x1d: {  	s5 =	simm.s32 @p1 $0x1;
	p0 =	seq.s32 s7, s2  }
0x1e: {  	s7 =	smul.u32 @!p0 $0xF7A, s2;
	p2 =	seq.s32 @!p0 s5, $0x0  }
0x1f: {  	s9 =	smul.u32 $0xF7A, s1;
	s8 =	simm.s32 @!p0 $0x1BF5;
	p2 =	por !p2, p0  }
0x20: {  	[sflag:s8] =	ssyncset.s32 @!p0 $0xFFFFF086;
	s6 =	sadd.s32 @!p0 s3, s7;
	s7 =	simm.s32 @!p0 $0x108  }
0x21: {  	s3 =	sadd.s32 s3, s9;
	s6 =	sadd.s32 @!p0 $0x88, s6;
	s7 =	simm.s32 @p2 $0x1082  }
0x22: {  	[simem:s7], [sflag:s8] =	dma.local @!p0 [hbm:s6], $0xF7A  }
0x23: {  	s9 =	sor.u32 $0xD0000000, s2;
	s6 =	simm.s32 $0x108;
	_ =	swait.ge @!p0 [sflag:s8], $0x0  }
0x24: {  	s3 =	sadd.s32 $0x88, s3;
	s6 =	simm.s32 @!p1 $0x1082;
	[sflag:s4] =	ssyncset.s32 $0xFFFFF086  }
0x25: {  	[simem:s6], [sflag:s4] =	dma.local [hbm:s3], $0xF7A  }
0x26: {  	[smem:$0x3F9F] =	sst s1;
	(tag) =	ssettag s2;
	_ =	strace s9  }
0x27: {  	s1 =	sld [smem:$0x3FAF]  }
0x28: {  	s2 =	sld [smem:$0x3FB0]  }
0x29: {  	s4 =	sld [smem:$0x3FB2]  }
0x2a: {  	p0 =	seq.s32 s5, $0x0;
	s5 =	sld [smem:$0x3FB3]  }
0x2b: {  	s6 =	sld [smem:$0x3FB4]  }
0x2c: {  	s7 =	sld [smem:$0x3FB5]  }
0x2d: {  	s3 =	simm.s32 $0x108;
	s8 =	sld [smem:$0x3FB6]  }
0x2e: {  	s3 =	simm.s32 @!p0 $0x1082;
	s9 =	sld [smem:$0x3FB7]  }
0x2f: {  	lr =	sadd.s32 s0, s3;
	s0 =	sld [smem:$0x3FAE]  }
0x30: {  	s3 =	sld [smem:$0x3FB1]  }
0x31: {  	[smem:$0x3FBA] =	sst s10  }
0x32: {  	s10 =	sld [smem:$0x3FB8];
	_ =	sdelay $0x3  }
0x33: {  	p0 =	seq.s32 s10, $0x1;
	s10 =	sld [smem:$0x3FBA];
	_ =	sdelay $0x3  }
0x34: {  	[smem:$0x3FBA] =	sst s10  }
0x35: {  	s10 =	sld [smem:$0x3FB9];
	_ =	sdelay $0x3  }
0x36: {  	p1 =	seq.s32 s10, $0x1;
	s10 =	sld [smem:$0x3FBA];
	_ =	sdelay $0x3  }
0x37: {  	[smem:$0x3FBA] =	sst s10  }
0x38: {  	s10 =	sld [smem:$0x3FBB]  }
0x39: {  	_ = 	snop;
	(pc) =	sbr.ind lr, $3  }
0x3a: {  	_ = 	snop  }
0x3b: {  	_ = 	snop  }
0x3c: {  	p2 =	seq.s32 s10, $0x1;
	s10 =	sld [smem:$0x3FBA]  }
0x3d: {  	_ =	shalt  }
0x3e: {  	_ =	shalt  }
0x3f: {  	_ =	shalt  }
0x40: {  	_ =	shalt  }
0x41: {  	_ =	shalt  }
0x42: {  	_ =	shalt  }
0x43: {  	_ =	shalt  }
0x44: {  	_ =	shalt  }
0x45: {  	_ =	shalt  }
0x46: {  	_ =	shalt  }
0x47: {  	_ =	shalt  }
0x48: {  	_ =	shalt  }
0x49: {  	_ =	shalt  }
0x4a: {  	_ =	shalt  }
0x4b: {  	_ =	shalt  }
0x4c: {  	_ =	shalt  }
0x4d: {  	_ =	shalt  }
0x4e: {  	_ =	shalt  }
0x4f: {  	_ =	shalt  }
0x50: {  	_ =	shalt  }
0x51: {  	_ =	shalt  }
0x52: {  	_ =	shalt  }
0x53: {  	_ =	shalt  }
0x54: {  	_ =	shalt  }
0x55: {  	_ =	shalt  }
0x56: {  	_ =	shalt  }
0x57: {  	_ =	shalt  }
0x58: {  	_ =	shalt  }
0x59: {  	_ =	shalt  }
0x5a: {  	_ =	shalt  }
0x5b: {  	_ =	shalt  }
0x5c: {  	_ =	shalt  }
0x5d: {  	_ =	shalt  }
0x5e: {  	_ =	shalt  }
0x5f: {  	_ =	shalt  }
0x60: {  	_ =	shalt  }
0x61: {  	_ =	shalt  }
0x62: {  	_ =	shalt  }
0x63: {  	_ =	shalt  }
0x64: {  	_ =	shalt  }
0x65: {  	_ =	shalt  }
0x66: {  	_ =	shalt  }
0x67: {  	_ =	shalt  }
0x68: {  	_ =	shalt  }
0x69: {  	_ =	shalt  }
0x6a: {  	_ =	shalt  }
0x6b: {  	_ =	shalt  }
0x6c: {  	_ =	shalt  }
0x6d: {  	_ =	shalt  }
0x6e: {  	_ =	shalt  }
0x6f: {  	_ =	shalt  }
0x70: {  	_ =	shalt  }
0x71: {  	_ =	shalt  }
0x72: {  	_ =	shalt  }
0x73: {  	_ =	shalt  }
0x74: {  	_ =	shalt  }
0x75: {  	_ =	shalt  }
0x76: {  	_ =	shalt  }
0x77: {  	_ =	shalt  }
0x78: {  	_ =	shalt  }
0x79: {  	_ =	shalt  }
0x7a: {  	_ =	shalt  }
0x7b: {  	_ =	shalt  }
0x7c: {  	_ =	shalt  }
0x7d: {  	_ =	shalt  }
0x7e: {  	_ =	shalt  }
0x7f: {  	_ =	shalt  }
0x80: {  	_ =	shalt  }
0x81: {  	_ =	shalt  }
0x82: {  	_ =	shalt  }
0x83: {  	_ =	shalt  }
0x84: {  	_ =	shalt  }
0x85: {  	_ =	shalt  }
0x86: {  	_ =	shalt  }
0x87: {  	_ =	shalt  }
.Lfunc_end0:
.L_simem_size_0:
called_computation_lowered:
.L_overlay_start_0:
0x88: {  	s2 =	sld [smem:$0x3FD9]  }
0x89: {  	s3 =	sld [smem:$0x3FFE];
	_ =	sdelay $0x1  }
0x8a: {  	s1 =	srdreg.scid  }
0x8b: {  	s0 =	sand.u32 $0x1, s1  }
0x8c: {  	s17 =	sshll.u32 s0, $0xA;
	s2 =	sadd.s32 s3, s2  }
0x8d: {  	s2 =	sadd.s32 s2, s17  }
0x8e: {  	[smem:$0x3FC6] =	sst s2  }
0x8f: {  	_ = 	snop  }
0x90: {  	s2 =	sld [smem:$0x3FC8]  }
0x91: {  	s18 =	sld [smem:$0x3FD0];
	(tm) =	ssettm $0x1  }
0x92: {  	s4 =	sld [smem:$0x3FFB];
	_ =	sdelay $0x3  }
0x93: {  	_ =	strace s4  }
0x94: {  	s4 =	sld [smem:$0x3FFC];
	_ =	sdelay $0x3  }
0x95: {  	_ =	strace s4  }
0x96: {  	s4 =	sld [smem:$0x3FFD];
	_ =	sdelay $0x3  }
0x97: {  	_ =	strace s4  }
0x98: {  	_ =	strace $0x8FFFFFFF  }
0x99: {  	s19 =	sld [smem:$0x3FDB];
	_ =	sdelay $0x1  }
0x9a: {  	s5 =	simm.s32 $_scs_section_size  }
0x9b: {  	s6 =	simm.s32 $_size__tile_overlayer_lowered;
	s7 =	simm.s32 $_tile_overlayer_lowered  }
0x9c: {  	s22 =	simm.s32 $0x1BFF;
	s21 =	sshll.u32 s7, $0x1;
	s4 =	sadd.s32 s5, s19  }
0x9d: {  	s8 =	simm.s32 $0x0;
	s20 =	sshll.u32 s6, $0x1;
	s6 =	sadd.s32 s21, s4  }
0x9e: {  	[timem:s8], [sflag:s22] =	dma.local [hbm:s6], s20  }
0x9f: {  	_ =	swait.ge [sflag:s22], s20  }
0xa0: {  	s5 =	ssub.s32 $0x0, s20;
	[sflag:s22] =	ssyncset.done $0x0  }
0xa1: {  	[sflag:s22] =	ssyncadd.s32 s5;
	_ =	sdelay $0x1  }
0xa2: {  	s23 =	simm.s32 $0x1B8B  }
0xa3: {  	_ =	swait.ge [sflag:s23], $0x1  }
0xa4: {  	[sflag:s23] =	ssyncset.done $0x0  }
0xa5: {  	s25 =	simm.s32 $0x1B8E;
	s24 =	sld [smem:$0x3FFE];
	[sflag:s23] =	ssyncadd.s32 $0xFFFFFFFF  }
0xa6: {  	s26 =	simm.s32 $execute0_lowered;
	[smem:$0x3FD2] =	sst s25  }
0xa7: {  	s6 =	sshll.u32 s26, $0x1;
	_ =	strace $0x80000046;
	[dreg:$0x1] =	wrdreg $0xFFFFFFFF  }
0xa8: {  	s28 =	simm.s32 $_size_execute0_lowered;
	s4 =	sadd.s32 s4, s6;
	[dreg:$0x0] =	wrdreg $0x0  }
0xa9: {  	s6 =	sshll.u32 s28, $0x1;
	[dreg:$0x2] =	wrdreg s4  }
0xaa: {  	[dreg:$0x3] =	wrdreg s6  }
0xab: {  	[dreg:$0x4] =	wrdreg $0xC0  }
0xac: {  	_ =	task [dreg:s8], $0x5FFFF  }
0xad: {  	[dreg:$0x1] =	wrdreg $0xFFFFFFFF  }
0xae: {  	[dreg:$0x0] =	wrdreg $0x60  }
0xaf: {  	[dreg:$0x2] =	wrdreg s24  }
0xb0: {  	[dreg:$0x3] =	wrdreg s2  }
0xb1: {  	[dreg:$0x4] =	wrdreg s18  }
0xb2: {  	[dreg:$0x5] =	wrdreg $0x64000  }
0xb3: {  	[dreg:$0x6] =	wrdreg $0x9  }
0xb4: {  	_ =	task.clear_ibuf [dreg:s8], $0x7FFFF;
	_ =	strace $0x90000046  }
0xb5: {  	s29 =	simm.s32 $0x9;
	_ =	strace $0x80000048  }
0xb6: {  	_ =	swait.ge [sflag:s29], $0x1  }
0xb7: {  	[sflag:s29] =	ssyncadd.s32 $0xFFFFFFFF  }
0xb8: {  	_ =	strace $0x90000048  }
0xb9: {  	_ =	sfence  }
0xba: {  	s30 =	sld [smem:$0x0];
	_ =	sdelay $0x2  }
0xbb: {  	s31 =	sshll.u32 s1, $0xD;
	s1 =	sshrl.u32 s1, $0x2  }
0xbc: {  	s3 =	sand.u32 $0x4000, s31;
	s1 =	sadd.s32 s1, s30  }
0xbd: {  	s0 =	sor.u32 s3, s0;
	s1 =	sshll.u32 s1, $0x11  }
0xbe: {  	s0 =	sor.u32 s1, s0  }
0xbf: {  	s0 =	sadd.s32 $0x8F2B, s0  }
0xc0: {  	[sflag:s0] =	ssyncadd.remote.s32 $0x1  }
0xc1: {  	_ =	sfence.sel $0xFFFF  }
0xc2: {  	[dreg:$0x0] =	wrdreg $0xFFFFFFFF;
	(pc) =	sbr.abs _section_cstart, $3  }
0xc3: {  	[dreg:$0x1] =	wrdreg $0xFFFFFFFF  }
0xc4: {  	_ =	task.clear_ibuf [dreg:s8], $0x2FFFF;
	_ =	strace $0x9FFFFFFF  }
0xc5: {  	(tm) =	ssettm $0x7FFFFFFF  }
tec
execute0_lowered:
.L_overlay_start_1:
0x0: {  	(tag) =	ssettag $0x1  }
0x1: {  	s0 =	rddreg [dreg:$0x0]  }
0x2: {  	s1 =	rddreg [dreg:$0x1];
	s2 =	srdreg.scid  }
0x3: {  	s10 =	stileid.u32;
	s3 =	rddreg [dreg:$0x3]  }
0x4: {  	s29 =	simm.s32 $0x3;
	s31 =	simm.s32 $0x1A400;
	s28 =	simm.s32 $0xE  }
0x5: {  	s30 =	simm.s32 $0x9;
	s2 =	sand.u32 $0x1, s2;
	s4 =	sshll.u32 s10, $0x1  }
0x6: {  	s26 =	smul.u32 $0x640000, s10;
	s11 =	sshll.u32 s10, $0xE;
	s8 =	sshll.u32 s10, $0xB  }
0x7: {  	s12 =	sshll.u32 s10, $0x6;
	s18 =	smul.u32 $0xC8000, s10;
	s10 =	simm.s32 $0xA  }
0x8: {  	s5 =	sor.u32 s2, s4;
	s4 =	simm.s32 $0x0;
	s9 =	smul.u32 $0x320000, s2  }
0x9: {  	s6 =	ssub.s32 $0x2, s2;
	s1 =	sadd.s32 s1, s8;
	s2 =	smul.u32 $0x64000, s2  }
0xa: {  	s8 =	simm.s32 $0xB;
	[smem:$0x7FF] =	sst s4;
	s7 =	sshrl.u32 s6, $0x1  }
0xb: {  	s5 =	smul.u32 $0x6400, s5;
	_ =	strace $0x80000047;
	s25 =	ssub.s32 s6, s7  }
0xc: {  	s7 =	sadd.s32 s11, s3;
	[dreg:$0x5] =	wrdreg s1;
	s1 =	sor.u32 $0x1C15, s12  }
0xd: {  	s13 =	sadd.s32 s9, s26;
	s9 =	simm.s32 $0xF;
	s11 =	simm.s32 $0x10  }
0xe: {  	s5 =	sshrl.u32 s5, $0x3;
	[dreg:$0x6] =	wrdreg s1;
	s14 =	smax.u32 s25, $0x1  }
0xf: {  	s15 =	sor.u32 $0xA000, s13;
	s16 =	sor.u32 $0x8000, s13;
	s19 =	sor.u32 $0x6000, s13  }
0x10: {  	s6 =	sor.u32 $0x4000, s13;
	s21 =	sor.u32 $0x2000, s13;
	s22 =	sor.u32 $0x12000, s13  }
0x11: {  	s23 =	sor.u32 $0x10000, s13;
	s24 =	sor.u32 $0xE000, s13;
	s26 =	sshrl.u32 s7, $0x3  }
0x12: {  	s7 =	simm.s32 $0x5;
	s0 =	sadd.s32 s5, s0;
	[dreg:$0x8] =	wrdreg s14  }
0x13: {  	s1 =	sshrl.u32 s15, $0x3;
	s17 =	sshrl.u32 s16, $0x3;
	[dreg:$0x13] =	wrdreg s26  }
0x14: {  	s5 =	sshrl.u32 s19, $0x3;
	s20 =	sshrl.u32 s6, $0x3;
	[dreg:$0x9] =	wrdreg s1  }
0x15: {  	s25 =	sshrl.u32 s24, $0x3;
	s24 =	simm.s32 $0x2;
	[dreg:$0xa] =	wrdreg s17  }
0x16: {  	s26 =	simm.s32 $0x18400;
	s6 =	simm.s32 $0x1C400;
	[dreg:$0xb] =	wrdreg s5  }
0x17: {  	s19 =	simm.s32 $0x6;
	s14 =	simm.s32 $0x0;
	[dreg:$0xc] =	wrdreg s20  }
0x18: {  	s0 =	sadd.s32 $0x400, s0;
	s5 =	sshrl.u32 s21, $0x3;
	[dreg:$0x11] =	wrdreg s25  }
0x19: {  	s1 =	sadd.s32 s2, s18;
	s21 =	simm.s32 $0x40;
	[dreg:$0x7] =	wrdreg s0  }
0x1a: {  	s2 =	simm.s32 $0x16400;
	s20 =	simm.s32 $0xC;
	[dreg:$0xd] =	wrdreg s5  }
.Ltmp0:
0x1b: {  	s25 =	simm.s32 $0x8;
	[dreg:$0xe] =	wrdreg s1;
	(pc) =	sbr.rel .LBB2_1-.Ltmp0, $4  }
0x1c: {  	s1 =	sshrl.u32 s22, $0x3;
	s0 =	sor.u32 $0xC000, s13;
	s5 =	simm.s32 $0x4  }
0x1d: {  	s22 =	simm.s32 $0x7;
	[dreg:$0xf] =	wrdreg s1;
	s1 =	sshrl.u32 s23, $0x3  }
0x1e: {  	s0 =	sshrl.u32 s0, $0x3;
	s23 =	simm.s32 $0xD;
	[dreg:$0x10] =	wrdreg s1  }
0x1f: {  	[dreg:$0x12] =	wrdreg s0;
	s1 =	simm.s32 $0x14400;
	s0 =	simm.s32 $0x1  }
.LBB2_4:
0x20: {  	s12 =	simm.s32 $0x11  }
0x21: {  	_ =	swait.ge [sflag:s12], $0x2000  }
0x22: {  	[sflag:s12] =	ssyncset.done $0x0  }
0x23: {  	s16 =	simm.s32 $0x12;
	[sflag:s12] =	ssyncadd.s32 $0xFFFFE000  }
0x24: {  	_ =	swait.ge [sflag:s16], $0x2000  }
0x25: {  	[sflag:s16] =	ssyncset.done $0x0  }
0x26: {  	s17 =	simm.s32 $0x13;
	[sflag:s16] =	ssyncadd.s32 $0xFFFFE000  }
0x27: {  	_ =	swait.ge [sflag:s17], $0x2000  }
0x28: {  	[sflag:s17] =	ssyncset.done $0x0  }
0x29: {  	s13 =	simm.s32 $0x14;
	[sflag:s17] =	ssyncadd.s32 $0xFFFFE000  }
0x2a: {  	_ =	swait.ge [sflag:s13], $0x2000  }
0x2b: {  	s14 =	rddreg [dreg:$0x14]  }
0x2c: {  	s18 =	rddreg [dreg:$0x8];
	s14 =	sadd.s32 $0x1, s14  }
0x2d: {  	p0 =	sne.s32 s14, s18  }
.Ltmp1:
0x2e: {  	_ = 	snop;
	(pc) =	sbr.rel @!p0 .LBB2_5-.Ltmp1, $3  }
0x2f: {  	_ =	sdelay $0x1  }
0x30: {  	[sflag:s13] =	ssyncset.done $0x0  }
0x31: {  	[sflag:s13] =	ssyncadd.s32 $0xFFFFE000  }
.LBB2_1:
0x32: {  	[dreg:$0x14] =	wrdreg s14  }
0x33: {  	s12 =	rddreg [dreg:$0x5]  }
0x34: {  	s13 =	rddreg [dreg:$0x6]  }
0x35: {  	s17 =	rddreg [dreg:$0x13];
	s18 =	simm.s32 $0x15  }
0x36: {  	[spmem:s17], [sflag:s13] =	dma.local [hbm:s12], $0x800  }
0x37: {  	_ =	swait.ge [sflag:s18], $0x800  }
0x38: {  	[sflag:s18] =	ssyncset.done $0x0  }
0x39: {  	s14 =	rddreg [dreg:$0x7];
	[sflag:s18] =	ssyncadd.s32 $0xFFFFF800  }
0x3a: {  	[tilespmem:s4], [sflag:$0x15] =	stream.linear.gather [hbm4b:s14+s4], $0x6400, $0x38;
	[tilespmem:$0x1E400] =	vst v63  }
0x3b: {  	_ =	swait.ge [sflag:s18], $0x6400  }
0x3c: {  	[sflag:s18] =	ssyncset.done $0x0  }
0x3d: {  	[sflag:s18] =	ssyncadd.s32 $0xFFFF9C00  }
0x3e: {  	s15 =	simm.s32 $0xA400;
	[bflag:$0x0] =	sbarrier.arrive $0xFFFF  }
0x3f: {  	[tilespmem:s15], [sflag:$0x1] =	stream.indirect.gather [spmem:s3], $0x80, s4, s21, $0xb8;
	[tilespmem:$0x1E400] =	vst v63  }
0x40: {  	s16 =	simm.s32 $0xC400  }
0x41: {  	[tilespmem:s16], [sflag:$0x2] =	stream.indirect.gather [spmem:s3], $0x80, s21, s21, $0xb8;
	[tilespmem:$0x1E400] =	vst v63  }
0x42: {  	s17 =	simm.s32 $0x80;
	s18 =	simm.s32 $0xE400  }
0x43: {  	[tilespmem:s18], [sflag:$0x3] =	stream.indirect.gather [spmem:s3], $0x80, s17, s21, $0xb8;
	[tilespmem:$0x1E400] =	vst v63  }
0x44: {  	s14 =	simm.s32 $0xC0;
	s15 =	simm.s32 $0x10400  }
0x45: {  	[tilespmem:s15], [sflag:$0x4] =	stream.indirect.gather [spmem:s3], $0x80, s14, s21, $0xb8;
	[tilespmem:$0x1E400] =	vst v63  }
0x46: {  	s16 =	simm.s32 $0x100;
	s17 =	simm.s32 $0x12400  }
0x47: {  	[tilespmem:s17], [sflag:$0x5] =	stream.indirect.gather [spmem:s3], $0x80, s16, s21, $0xb8;
	[tilespmem:$0x1E400] =	vst v63  }
0x48: {  	s13 =	simm.s32 $0x0;
	s12 =	rddreg [dreg:$0x2];
	s18 =	simm.s32 $0x140  }
0x49: {  	[tilespmem:s1], [sflag:$0x6] =	stream.indirect.gather [spmem:s3], $0x80, s18, s21, $0xb8;
	[tilespmem:$0x1E400] =	vst v63  }
.LBB2_2:
0x4a: {  	_ =	swait.ge [sflag:s0], $0x2000  }
0x4b: {  	s15 =	simm.s32 $0xA400;
	[sflag:s0] =	ssyncset.done $0x0;
	s14 =	rddreg [dreg:$0xe]  }
0x4c: {  	p0 =	seq.s32 s13, $0x0;
	[sflag:s0] =	ssyncadd.s32 $0xFFFFE000;
	s14 =	sadd.s32 s12, s14  }
0x4d: {  	[hbm4b:s14+s4] =	stream.linear.scatter [tilespmem:s15], [sflag:$0xB], $0x2000, $0x38;
	[tilespmem:$0x1E400] =	vst v63  }
0x4e: {  	s15 =	simm.s32 @!p0 $0x11  }
0x4f: {  	_ =	swait.ge @!p0 [sflag:s15], $0x2000  }
0x50: {  	s14 =	sshra.s32 s13, $0x2;
	[sflag:s15] =	ssyncset.done @!p0 $0x0  }
0x51: {  	s16 =	sadd.s32 $0x180, s14;
	[sflag:s15] =	ssyncadd.s32 @!p0 $0xFFFFE000  }
0x52: {  	[tilespmem:s2], [sflag:$0x7] =	stream.indirect.gather [spmem:s3], $0x80, s16, s21, $0xb8;
	[tilespmem:$0x1E400] =	vst v63  }
0x53: {  	_ =	swait.ge [sflag:s24], $0x2000  }
0x54: {  	[sflag:s24] =	ssyncset.done $0x0;
	s17 =	rddreg [dreg:$0xd]  }
0x55: {  	s16 =	simm.s32 $0xC400;
	[sflag:s24] =	ssyncadd.s32 $0xFFFFE000;
	s15 =	sadd.s32 s12, s17  }
0x56: {  	[hbm4b:s15+s4] =	stream.linear.scatter [tilespmem:s16], [sflag:$0xC], $0x2000, $0x38;
	[tilespmem:$0x1E400] =	vst v63  }
0x57: {  	s15 =	simm.s32 @!p0 $0x12  }
0x58: {  	_ =	swait.ge @!p0 [sflag:s15], $0x2000  }
0x59: {  	[sflag:s15] =	ssyncset.done @!p0 $0x0  }
0x5a: {  	s18 =	sadd.s32 $0x1C0, s14;
	[sflag:s15] =	ssyncadd.s32 @!p0 $0xFFFFE000  }
0x5b: {  	[tilespmem:s26], [sflag:$0x8] =	stream.indirect.gather [spmem:s3], $0x80, s18, s21, $0xb8;
	[tilespmem:$0x1E400] =	vst v63  }
0x5c: {  	_ =	swait.ge [sflag:s29], $0x2000  }
0x5d: {  	[sflag:s29] =	ssyncset.done $0x0;
	s16 =	rddreg [dreg:$0xc]  }
0x5e: {  	s17 =	simm.s32 $0xE400;
	[sflag:s29] =	ssyncadd.s32 $0xFFFFE000;
	s15 =	sadd.s32 s12, s16  }
0x5f: {  	[hbm4b:s15+s4] =	stream.linear.scatter [tilespmem:s17], [sflag:$0xD], $0x2000, $0x38;
	[tilespmem:$0x1E400] =	vst v63  }
0x60: {  	s15 =	simm.s32 @!p0 $0x13  }
0x61: {  	_ =	swait.ge @!p0 [sflag:s15], $0x2000  }
0x62: {  	[sflag:s15] =	ssyncset.done @!p0 $0x0  }
0x63: {  	s18 =	sadd.s32 $0x200, s14;
	[sflag:s15] =	ssyncadd.s32 @!p0 $0xFFFFE000  }
0x64: {  	[tilespmem:s31], [sflag:$0x9] =	stream.indirect.gather [spmem:s3], $0x80, s18, s21, $0xb8;
	[tilespmem:$0x1E400] =	vst v63  }
0x65: {  	_ =	swait.ge [sflag:s5], $0x2000  }
0x66: {  	[sflag:s5] =	ssyncset.done $0x0;
	s16 =	rddreg [dreg:$0xb]  }
0x67: {  	s17 =	simm.s32 $0x10400;
	[sflag:s5] =	ssyncadd.s32 $0xFFFFE000;
	s15 =	sadd.s32 s12, s16  }
0x68: {  	[hbm4b:s15+s4] =	stream.linear.scatter [tilespmem:s17], [sflag:$0xE], $0x2000, $0x38;
	[tilespmem:$0x1E400] =	vst v63  }
0x69: {  	s15 =	simm.s32 @!p0 $0x14  }
0x6a: {  	_ =	swait.ge @!p0 [sflag:s15], $0x2000  }
0x6b: {  	[sflag:s15] =	ssyncset.done @!p0 $0x0  }
0x6c: {  	s18 =	sadd.s32 $0x240, s14;
	[sflag:s15] =	ssyncadd.s32 @!p0 $0xFFFFE000  }
0x6d: {  	[tilespmem:s6], [sflag:$0xA] =	stream.indirect.gather [spmem:s3], $0x80, s18, s21, $0xb8;
	[tilespmem:$0x1E400] =	vst v63  }
0x6e: {  	_ =	swait.ge [sflag:s7], $0x2000  }
0x6f: {  	[sflag:s7] =	ssyncset.done $0x0;
	s16 =	rddreg [dreg:$0xa]  }
0x70: {  	s17 =	simm.s32 $0x12400;
	[sflag:s7] =	ssyncadd.s32 $0xFFFFE000;
	s15 =	sadd.s32 s12, s16  }
0x71: {  	[hbm4b:s15+s4] =	stream.linear.scatter [tilespmem:s17], [sflag:$0xF], $0x2000, $0x38;
	[tilespmem:$0x1E400] =	vst v63  }
0x72: {  	p0 =	seq.s32 s13, $0x18600;
	_ =	swait.ge [sflag:s8], $0x2000  }
0x73: {  	s18 =	simm.s32 @!p0 $0xA400;
	s15 =	sshra.s32 @!p0 s13, $0x2;
	[sflag:s8] =	ssyncset.done $0x0  }
0x74: {  	s17 =	simm.s32 @!p0 $0x40;
	s16 =	sadd.s32 @!p0 $0x280, s15;
	[sflag:s8] =	ssyncadd.s32 $0xFFFFE000  }
0x75: {  	[tilespmem:s18], [sflag:$0x1] =	stream.indirect.gather @!p0 [spmem:s3], $0x80, s16, s17, $0xb8;
	[tilespmem:$0x1E400] =	vst v63  }
0x76: {  	_ =	swait.ge [sflag:s19], $0x2000  }
0x77: {  	[sflag:s19] =	ssyncset.done $0x0;
	s18 =	rddreg [dreg:$0x9]  }
0x78: {  	[sflag:s19] =	ssyncadd.s32 $0xFFFFE000;
	s16 =	sadd.s32 s12, s18  }
0x79: {  	[hbm4b:s16+s4] =	stream.linear.scatter [tilespmem:s1], [sflag:$0x10], $0x2000, $0x38;
	[tilespmem:$0x1E400] =	vst v63  }
0x7a: {  	_ =	swait.ge [sflag:s20], $0x2000  }
0x7b: {  	[sflag:s20] =	ssyncset.done $0x0  }
0x7c: {  	s18 =	simm.s32 @!p0 $0xC400;
	s16 =	sadd.s32 @!p0 $0x2C0, s15;
	[sflag:s20] =	ssyncadd.s32 $0xFFFFE000  }
0x7d: {  	[tilespmem:s18], [sflag:$0x2] =	stream.indirect.gather @!p0 [spmem:s3], $0x80, s16, s17, $0xb8;
	[tilespmem:$0x1E400] =	vst v63  }
0x7e: {  	_ =	swait.ge [sflag:s22], $0x2000  }
0x7f: {  	[sflag:s22] =	ssyncset.done $0x0;
	s18 =	rddreg [dreg:$0x12]  }
0x80: {  	[sflag:s22] =	ssyncadd.s32 $0xFFFFE000;
	s16 =	sadd.s32 s12, s18  }
0x81: {  	[hbm4b:s16+s4] =	stream.linear.scatter [tilespmem:s2], [sflag:$0x11], $0x2000, $0x38;
	[tilespmem:$0x1E400] =	vst v63  }
0x82: {  	_ =	swait.ge [sflag:s23], $0x2000  }
0x83: {  	[sflag:s23] =	ssyncset.done $0x0  }
0x84: {  	s18 =	simm.s32 @!p0 $0xE400;
	s16 =	sadd.s32 @!p0 $0x300, s15;
	[sflag:s23] =	ssyncadd.s32 $0xFFFFE000  }
0x85: {  	[tilespmem:s18], [sflag:$0x3] =	stream.indirect.gather @!p0 [spmem:s3], $0x80, s16, s17, $0xb8;
	[tilespmem:$0x1E400] =	vst v63  }
0x86: {  	_ =	swait.ge [sflag:s25], $0x2000  }
0x87: {  	[sflag:s25] =	ssyncset.done $0x0;
	s18 =	rddreg [dreg:$0x11]  }
0x88: {  	[sflag:s25] =	ssyncadd.s32 $0xFFFFE000;
	s16 =	sadd.s32 s12, s18  }
0x89: {  	[hbm4b:s16+s4] =	stream.linear.scatter [tilespmem:s26], [sflag:$0x12], $0x2000, $0x38;
	[tilespmem:$0x1E400] =	vst v63  }
0x8a: {  	_ =	swait.ge [sflag:s28], $0x2000  }
0x8b: {  	[sflag:s28] =	ssyncset.done $0x0  }
0x8c: {  	s18 =	simm.s32 @!p0 $0x10400;
	s16 =	sadd.s32 @!p0 $0x340, s15;
	[sflag:s28] =	ssyncadd.s32 $0xFFFFE000  }
0x8d: {  	[tilespmem:s18], [sflag:$0x4] =	stream.indirect.gather @!p0 [spmem:s3], $0x80, s16, s17, $0xb8;
	[tilespmem:$0x1E400] =	vst v63  }
0x8e: {  	_ =	swait.ge [sflag:s30], $0x2000  }
0x8f: {  	[sflag:s30] =	ssyncset.done $0x0;
	s18 =	rddreg [dreg:$0x10]  }
0x90: {  	[sflag:s30] =	ssyncadd.s32 $0xFFFFE000;
	s16 =	sadd.s32 s12, s18  }
0x91: {  	[hbm4b:s16+s4] =	stream.linear.scatter [tilespmem:s31], [sflag:$0x13], $0x2000, $0x38;
	[tilespmem:$0x1E400] =	vst v63  }
0x92: {  	_ =	swait.ge [sflag:s9], $0x2000  }
0x93: {  	[sflag:s9] =	ssyncset.done $0x0  }
0x94: {  	s15 =	sadd.s32 @!p0 $0x380, s15;
	s16 =	simm.s32 @!p0 $0x12400;
	[sflag:s9] =	ssyncadd.s32 $0xFFFFE000  }
0x95: {  	[tilespmem:s16], [sflag:$0x5] =	stream.indirect.gather @!p0 [spmem:s3], $0x80, s15, s17, $0xb8;
	[tilespmem:$0x1E400] =	vst v63  }
0x96: {  	_ =	swait.ge [sflag:s10], $0x2000  }
0x97: {  	[sflag:s10] =	ssyncset.done $0x0;
	s18 =	rddreg [dreg:$0xf]  }
.Ltmp2:
0x98: {  	[sflag:s10] =	ssyncadd.s32 $0xFFFFE000;
	s15 =	sadd.s32 s12, s18;
	(pc) =	sbr.rel @p0 .LBB2_4-.Ltmp2, $4  }
0x99: {  	[hbm4b:s15+s4] =	stream.linear.scatter [tilespmem:s6], [sflag:$0x14], $0x2000, $0x38;
	[tilespmem:$0x1E400] =	vst v63  }
0x9a: {  	_ =	swait.ge [sflag:s11], $0x2000  }
0x9b: {  	[sflag:s11] =	ssyncset.done $0x0  }
0x9c: {  	[sflag:s11] =	ssyncadd.s32 $0xFFFFE000  }
.Ltmp3:
0x9d: {  	(pc) =	sbr.rel .LBB2_2-.Ltmp3, $3  }
0x9e: {  	_ =	sdelay $0x1  }
0x9f: {  	s14 =	sadd.s32 $0x3C0, s14;
	s13 =	sadd.s32 $0xA00, s13;
	s12 =	sadd.s32 $0x2800, s12  }
0xa0: {  	[tilespmem:s1], [sflag:$0x6] =	stream.indirect.gather [spmem:s3], $0x80, s14, s21, $0xb8;
	[tilespmem:$0x1E400] =	vst v63  }
.LBB2_5:
0xa1: {  	_ =	sfence.sel $0x180000  }
0xa2: {  	[bflag:$0x0] =	sbarrier.arrive $0xFFFF  }
0xa3: {  	_ =	strace $0x90000047  }
0xa4: {  	s0 =	stileid.u32;
	[bflag:$0x2] =	sbarrier.arrive $0xFFFF  }
0xa5: {  	p0 =	sne.s32 s0, $0x0;
	s0 =	rddreg [dreg:$0x4]  }
0xa6: {  	s0 =	sadd.s32 @!p0 $0x100000, s0  }
0xa7: {  	[sflag:s0] =	ssyncadd.tile.s32 @!p0 $0x1;
	_ =	shalt  }
.Lfunc_end2:
_tile_overlayer_lowered:
.L_overlay_start_2:
0xa8: {  	(tag) =	ssettag $0x2  }
0xa9: {  	s0 =	rddreg [dreg:$0x0];
	s2 =	stileid.u32  }
0xaa: {  	s1 =	rddreg [dreg:$0x1];
	p0 =	sne.s32 s2, $0x0  }
0xab: {  	s3 =	rddreg [dreg:$0x2];
	[bflag:$0x3] =	sbarrier.arrive $0xFFFF;
	s2 =	simm.s32 @!p0 $0x1C15  }
0xac: {  	[timem:s3], [sflag:s2] =	dma.local @!p0 [hbm:s0], s1  }
0xad: {  	s0 =	simm.s32 @!p0 $0x15  }
0xae: {  	_ =	swait.ge @!p0 [sflag:s0], s1  }
0xaf: {  	s1 =	ssub.s32 @!p0 $0x0, s1;
	[sflag:s0] =	ssyncset.done @!p0 $0x0  }
0xb0: {  	[sflag:s0] =	ssyncadd.s32 @!p0 s1  }
0xb1: {  	[bflag:$0x3] =	sbarrier.arrive $0xFFFF  }
0xb2: {  	_ =	shalt  }

</sc_bundles>
